<compile_context>
chip_gen: v7x
topology: tpu7x:2x2x1
jax: 0.10.2.dev20260603
libtpu: 0.0.44.dev20260713+nightly
codegen_flags: <defaults>
</compile_context>

<pallas_src>
import functools

import jax
import jax.numpy as jnp
from jax import lax
from jax.experimental import pallas as pl
from jax.experimental.pallas import tpu as pltpu
from jax.experimental.pallas import tpu_sc as plsc

_BR = 32
_BC = 2048


def _sc_body(labt_hbm, out_hbm, lab_v, blk_v, *, b, l):
    wid = lax.axis_index("s") * 2 + lax.axis_index("c")
    big = wid < 29
    g0 = jnp.where(big, 4 * wid, 116 + 3 * (wid - 29))
    ng = jnp.where(big, 4, 3)
    r0 = 8 * g0
    nhalf = b // _BC
    iters = _BC // 16

    def _chunk(t, _):
        j = t // nhalf
        h = t % nhalf
        pltpu.sync_copy(labt_hbm.at[j, 0, pl.ds(h * _BC, _BC)], lab_v)

        def _vec(i, _):
            lab = lab_v[pl.ds(i * 16, 16)]
            one = jnp.float32(1)
            zero = jnp.float32(0)
            for r in range(24):
                blk_v[r, pl.ds(i * 16, 16)] = jnp.where(
                    lab == r0 + r, one, zero
                )

            @pl.when(ng == 4)
            def _high_rows():
                for r in range(24, _BR):
                    blk_v[r, pl.ds(i * 16, 16)] = jnp.where(
                        lab == r0 + r, one, zero
                    )

            return 0

        lax.fori_loop(0, iters, _vec, 0)

        @pl.when(ng == 4)
        def _copy_big():
            pltpu.sync_copy(
                blk_v, out_hbm.at[j, pl.ds(r0, _BR), pl.ds(h * _BC, _BC)]
            )

        @pl.when(ng == 3)
        def _copy_small():
            pltpu.sync_copy(
                blk_v.at[pl.ds(0, 24)],
                out_hbm.at[j, pl.ds(r0, 24), pl.ds(h * _BC, _BC)],
            )

        return 0

    lax.fori_loop(0, l * nhalf, _chunk, 0)


def kernel(label, N):
    n_cls = 1000
    b, l = label.shape
    labt3 = label.T.reshape(l, 1, b)
    mesh = plsc.VectorSubcoreMesh(core_axis_name="c", subcore_axis_name="s")
    k = pl.kernel(
        functools.partial(_sc_body, b=b, l=l),
        out_type=jax.ShapeDtypeStruct((l, n_cls, b), jnp.float32),
        mesh=mesh,
        scratch_types=[
            pltpu.VMEM((_BC,), jnp.int32),
            pltpu.VMEM((_BR, _BC), jnp.float32),
        ],
    )
    out = k(labt3)
    return out.transpose(1, 2, 0)

# --- scband reference (transcript-rebuilt; emitter-appended) ---
"""Pipeline reference for scband-get-one-hot-59442347376951 (READ-ONLY COPY).

The authoritative reference and input builder live on the scoring server;
editing this copy changes nothing except your own understanding.
"""

import jax, jax.numpy as jnp
import numpy as np


def setup_inputs(seed: int = 0) -> dict:
    key = jax.random.key(seed)
    label = jax.random.randint(key, (4096, 20), 0, 1000)
    return {"label": label, "N": 1000}


def reference(label, N):
    # Faithful translation of get_one_hot.forward:
    #   size = list(label.size()); label = label.view(-1)
    #   ones = eye(N).index_select(0, label)
    #   return ones.view(*size, N).permute(2, 0, 1)
    size = list(label.shape)
    flat = label.reshape(-1)
    n_static = 1000
    classes = jnp.arange(n_static, dtype=flat.dtype) + N * 0
    ones = (flat[:, None] == classes[None, :]).astype(jnp.float32)
    out = ones.reshape(size + [n_static]).transpose(2, 0, 1)
    return out

if __name__ == "__main__":
    import jax
    _d = setup_inputs()
    print(jax.jit(kernel)(*tuple(_d.values())))

</pallas_src>

<mosaic_0001>
#map = affine_map<(d0, d1) -> (0, 0, 0)>
module attributes {stable_mosaic.version = 14 : i64} {
  func.func @_sc_body(%arg0: i32, %arg1: i32, %arg2: memref<20x1x4096xi32, #tpu.memory_space<hbm>>, %arg3: memref<20x1000x4096xf32, #tpu.memory_space<hbm>>, %arg4: memref<2048xi32, #tpu.memory_space<vmem>>, %arg5: memref<32x2048xf32, #tpu.memory_space<vmem>>) attributes {dimension_semantics = [#tpu.dimension_semantics<core_parallel>, #tpu.dimension_semantics<subcore_parallel>], iteration_bounds = array<i64: 2, 16>, scalar_prefetch = 0 : i64, scratch_operands = 2 : i64, tpu.core_type = #tpu.core_type<sc_vector_subcore>, window_params = [{transform_indices = #map}, {transform_indices = #map}]} {
    %mul3A = arith.constant 2 : i32
    %mul3A_0 = arith.muli %arg1, %mul3A : i32
    %add3A = arith.addi %mul3A_0, %arg0 : i32
    %lt3A = arith.constant 29 : i32
    %lt3A_1 = arith.cmpi slt, %add3A, %lt3A : i32
    %mul3A_2 = arith.constant 4 : i32
    %mul3A_3 = arith.muli %mul3A_2, %add3A : i32
    %sub3A = arith.constant 29 : i32
    %sub3A_4 = arith.subi %add3A, %sub3A : i32
    %mul3A_5 = arith.constant 3 : i32
    %mul3A_6 = arith.muli %mul3A_5, %sub3A_4 : i32
    %add3A_7 = arith.constant 116 : i32
    %add3A_8 = arith.addi %add3A_7, %mul3A_6 : i32
    %select_n3A = arith.select %lt3A_1, %mul3A_3, %add3A_8 : i32
    %jit3A = arith.constant 4 : i32
    %jit3A_9 = arith.constant 3 : i32
    %select_n3A_10 = arith.select %lt3A_1, %jit3A, %jit3A_9 : i32
    %mul3A_11 = arith.constant 8 : i32
    %mul3A_12 = arith.muli %mul3A_11, %select_n3A : i32
    %scan3A = arith.constant 0 : i32
    %scan3A_13 = arith.constant 0 : i32
    %scan3A_14 = arith.constant 40 : i32
    %scan3A_15 = arith.addi %scan3A_13, %scan3A_14 : i32
    %scan3A_16 = arith.constant 1 : i32
    %scan3A_17 = scf.for %scan3A_19 = %scan3A_13 to %scan3A_15 step %scan3A_16 iter_args(%scan3A_20 = %scan3A) -> (i32)  : i32 {
      %jit3A_21 = arith.constant 2 : i32
      %div3A = arith.divsi %scan3A_19, %jit3A_21 : i32
      %sign3A = arith.constant 0 : i32
      %sign3A_22 = arith.cmpi sgt, %scan3A_19, %sign3A : i32
      %sign3A_23 = arith.extui %sign3A_22 : i1 to i32
      %sign3A_24 = arith.constant 0 : i32
      %sign3A_25 = arith.cmpi slt, %scan3A_19, %sign3A_24 : i32
      %sign3A_26 = arith.extui %sign3A_25 : i1 to i32
      %sign3A_27 = arith.subi %sign3A_23, %sign3A_26 : i32
      %sign3A_28 = arith.constant 0 : i32
      %sign3A_29 = arith.cmpi sgt, %jit3A_21, %sign3A_28 : i32
      %sign3A_30 = arith.extui %sign3A_29 : i1 to i32
      %sign3A_31 = arith.constant 0 : i32
      %sign3A_32 = arith.cmpi slt, %jit3A_21, %sign3A_31 : i32
      %sign3A_33 = arith.extui %sign3A_32 : i1 to i32
      %sign3A_34 = arith.subi %sign3A_30, %sign3A_33 : i32
      %ne3A = arith.cmpi ne, %sign3A_27, %sign3A_34 : i32
      %rem3A = arith.remsi %scan3A_19, %jit3A_21 : i32
      %ne3A_35 = arith.constant 0 : i32
      %ne3A_36 = arith.cmpi ne, %rem3A, %ne3A_35 : i32
      %and3A = arith.andi %ne3A, %ne3A_36 : i1
      %sub3A_37 = arith.constant 1 : i32
      %sub3A_38 = arith.subi %div3A, %sub3A_37 : i32
      %select_n3A_39 = arith.select %and3A, %sub3A_38, %div3A : i32
      %jit3A_40 = arith.constant 2 : i32
      %eq3A = arith.constant 0 : i32
      %eq3A_41 = arith.cmpi eq, %jit3A_40, %eq3A : i32
      %jit3A_42 = arith.constant 1 : i32
      %select_n3A_43 = arith.select %eq3A_41, %jit3A_42, %jit3A_40 : i32
      %rem3A_44 = arith.remsi %scan3A_19, %select_n3A_43 : i32
      %ne3A_45 = arith.constant 0 : i32
      %ne3A_46 = arith.cmpi ne, %rem3A_44, %ne3A_45 : i32
      %lt3A_47 = arith.constant 0 : i32
      %lt3A_48 = arith.cmpi slt, %rem3A_44, %lt3A_47 : i32
      %lt3A_49 = arith.constant 0 : i32
      %lt3A_50 = arith.cmpi slt, %select_n3A_43, %lt3A_49 : i32
      %ne3A_51 = arith.xori %lt3A_48, %lt3A_50 : i1
      %and3A_52 = arith.andi %ne3A_51, %ne3A_46 : i1
      %add3A_53 = arith.addi %rem3A_44, %select_n3A_43 : i32
      %select_n3A_54 = arith.select %and3A_52, %add3A_53, %rem3A_44 : i32
      %mul3A_55 = arith.constant 2048 : i32
      %mul3A_56 = arith.muli %select_n3A_54, %mul3A_55 : i32
      %run_scoped3A = arith.constant 0 : i32
      "tpu.region"() ({
        %run_scoped3A_73 = tpu.sem_alloc : memref<!tpu.dma_semaphore, #tpu.memory_space<semaphore_mem>>
        %dma_start3A = tpu.memref_slice %arg2[%select_n3A_39, %run_scoped3A, %mul3A_56] : memref<20x1x4096xi32, #tpu.memory_space<hbm>> -> memref<1x1x2048xi32, #tpu.memory_space<hbm>>
        %dma_start3A_74 = tpu.memref_squeeze %dma_start3A : memref<1x1x2048xi32, #tpu.memory_space<hbm>> -> memref<2048xi32, #tpu.memory_space<hbm>>
        %dma_start3A_75 = tpu.memref_slice %arg2[%select_n3A_39, %run_scoped3A, %mul3A_56] : memref<20x1x4096xi32, #tpu.memory_space<hbm>> -> memref<1x1x2048xi32, #tpu.memory_space<hbm>>
        %dma_start3A_76 = tpu.memref_squeeze %dma_start3A_75 : memref<1x1x2048xi32, #tpu.memory_space<hbm>> -> memref<2048xi32, #tpu.memory_space<hbm>>
        tpu.enqueue_dma source(%dma_start3A_76 : memref<2048xi32, #tpu.memory_space<hbm>>) target(%arg4 : memref<2048xi32, #tpu.memory_space<vmem>>) target_semaphore(%run_scoped3A_73 : memref<!tpu.dma_semaphore, #tpu.memory_space<semaphore_mem>>)
        %dma_wait3A = tpu.memref_slice %arg2[%select_n3A_39, %run_scoped3A, %mul3A_56] : memref<20x1x4096xi32, #tpu.memory_space<hbm>> -> memref<1x1x2048xi32, #tpu.memory_space<hbm>>
        %dma_wait3A_77 = tpu.memref_squeeze %dma_wait3A : memref<1x1x2048xi32, #tpu.memory_space<hbm>> -> memref<2048xi32, #tpu.memory_space<hbm>>
        %dma_wait3A_78 = tpu.memref_slice %arg2[%select_n3A_39, %run_scoped3A, %mul3A_56] : memref<20x1x4096xi32, #tpu.memory_space<hbm>> -> memref<1x1x2048xi32, #tpu.memory_space<hbm>>
        %dma_wait3A_79 = tpu.memref_squeeze %dma_wait3A_78 : memref<1x1x2048xi32, #tpu.memory_space<hbm>> -> memref<2048xi32, #tpu.memory_space<hbm>>
        tpu.wait_dma2 semaphore(%run_scoped3A_73 : memref<!tpu.dma_semaphore, #tpu.memory_space<semaphore_mem>>) src(%dma_wait3A_79 : memref<2048xi32, #tpu.memory_space<hbm>>) dst(%arg4 : memref<2048xi32, #tpu.memory_space<vmem>>)
        tpu.yield
      }) : () -> ()
      %scan3A_57 = arith.constant 0 : i32
      %scan3A_58 = arith.constant 0 : i32
      %scan3A_59 = arith.constant 128 : i32
      %scan3A_60 = arith.addi %scan3A_58, %scan3A_59 : i32
      %scan3A_61 = arith.constant 1 : i32
      %scan3A_62 = scf.for %scan3A_73 = %scan3A_58 to %scan3A_60 step %scan3A_61 iter_args(%scan3A_74 = %scan3A_57) -> (i32)  : i32 {
        %mul3A_75 = arith.constant 16 : i32
        %mul3A_76 = arith.muli %scan3A_73, %mul3A_75 : i32
        %get3A = arith.index_cast %mul3A_76 : i32 to index
        %get3A_77 = tpu.vector_load %arg4[%get3A] {strides = array<i32>} : memref<2048xi32, #tpu.memory_space<vmem>>, vector<16xi32>,
        %get3A_78 = vector.shape_cast %get3A_77 : vector<16xi32> to vector<16xi32>
        %add3A_79 = arith.constant 0 : i32
        %add3A_80 = arith.addi %mul3A_12, %add3A_79 : i32
        %eq3A_81 = vector.broadcast %add3A_80 : i32 to vector<16xi32>
        %eq3A_82 = arith.cmpi eq, %get3A_78, %eq3A_81 : vector<16xi32>
        %jit3A_83 = arith.constant 1.000000e+00 : f32
        %jit3A_84 = arith.constant 0.000000e+00 : f32
        %broadcast_in_dim3A = vector.broadcast %jit3A_83 : f32 to vector<16xf32>
        %broadcast_in_dim3A_85 = vector.broadcast %jit3A_84 : f32 to vector<16xf32>
        %select_n3A_86 = arith.select %eq3A_82, %broadcast_in_dim3A, %broadcast_in_dim3A_85 : vector<16xi1>, vector<16xf32>
        %mul3A_87 = arith.constant 16 : i32
        %mul3A_88 = arith.muli %scan3A_73, %mul3A_87 : i32
        %swap3A = arith.constant 0 : i32
        %swap3A_89 = arith.index_cast %swap3A : i32 to index
        %swap3A_90 = arith.index_cast %mul3A_88 : i32 to index
        %swap3A_91 = tpu.vector_load %arg5[%swap3A_89, %swap3A_90] {strides = array<i32>} : memref<32x2048xf32, #tpu.memory_space<vmem>>, vector<1x16xf32>,
        %swap3A_92 = vector.shape_cast %swap3A_91 : vector<1x16xf32> to vector<16xf32>
        %swap3A_93 = vector.shape_cast %select_n3A_86 : vector<16xf32> to vector<1x16xf32>
        tpu.vector_store %arg5[%swap3A_89, %swap3A_90], %swap3A_93 {strides = array<i32>} : memref<32x2048xf32, #tpu.memory_space<vmem>>, vector<1x16xf32>,
        %add3A_94 = arith.constant 1 : i32
        %add3A_95 = arith.addi %mul3A_12, %add3A_94 : i32
        %eq3A_96 = vector.broadcast %add3A_95 : i32 to vector<16xi32>
        %eq3A_97 = arith.cmpi eq, %get3A_78, %eq3A_96 : vector<16xi32>
        %jit3A_98 = arith.constant 1.000000e+00 : f32
        %jit3A_99 = arith.constant 0.000000e+00 : f32
        %broadcast_in_dim3A_100 = vector.broadcast %jit3A_98 : f32 to vector<16xf32>
        %broadcast_in_dim3A_101 = vector.broadcast %jit3A_99 : f32 to vector<16xf32>
        %select_n3A_102 = arith.select %eq3A_97, %broadcast_in_dim3A_100, %broadcast_in_dim3A_101 : vector<16xi1>, vector<16xf32>
        %mul3A_103 = arith.constant 16 : i32
        %mul3A_104 = arith.muli %scan3A_73, %mul3A_103 : i32
        %swap3A_105 = arith.constant 1 : i32
        %swap3A_106 = arith.index_cast %swap3A_105 : i32 to index
        %swap3A_107 = arith.index_cast %mul3A_104 : i32 to index
        %swap3A_108 = tpu.vector_load %arg5[%swap3A_106, %swap3A_107] {strides = array<i32>} : memref<32x2048xf32, #tpu.memory_space<vmem>>, vector<1x16xf32>,
        %swap3A_109 = vector.shape_cast %swap3A_108 : vector<1x16xf32> to vector<16xf32>
        %swap3A_110 = vector.shape_cast %select_n3A_102 : vector<16xf32> to vector<1x16xf32>
        tpu.vector_store %arg5[%swap3A_106, %swap3A_107], %swap3A_110 {strides = array<i32>} : memref<32x2048xf32, #tpu.memory_space<vmem>>, vector<1x16xf32>,
        %add3A_111 = arith.constant 2 : i32
        %add3A_112 = arith.addi %mul3A_12, %add3A_111 : i32
        %eq3A_113 = vector.broadcast %add3A_112 : i32 to vector<16xi32>
        %eq3A_114 = arith.cmpi eq, %get3A_78, %eq3A_113 : vector<16xi32>
        %jit3A_115 = arith.constant 1.000000e+00 : f32
        %jit3A_116 = arith.constant 0.000000e+00 : f32
        %broadcast_in_dim3A_117 = vector.broadcast %jit3A_115 : f32 to vector<16xf32>
        %broadcast_in_dim3A_118 = vector.broadcast %jit3A_116 : f32 to vector<16xf32>
        %select_n3A_119 = arith.select %eq3A_114, %broadcast_in_dim3A_117, %broadcast_in_dim3A_118 : vector<16xi1>, vector<16xf32>
        %mul3A_120 = arith.constant 16 : i32
        %mul3A_121 = arith.muli %scan3A_73, %mul3A_120 : i32
        %swap3A_122 = arith.constant 2 : i32
        %swap3A_123 = arith.index_cast %swap3A_122 : i32 to index
        %swap3A_124 = arith.index_cast %mul3A_121 : i32 to index
        %swap3A_125 = tpu.vector_load %arg5[%swap3A_123, %swap3A_124] {strides = array<i32>} : memref<32x2048xf32, #tpu.memory_space<vmem>>, vector<1x16xf32>,
        %swap3A_126 = vector.shape_cast %swap3A_125 : vector<1x16xf32> to vector<16xf32>
        %swap3A_127 = vector.shape_cast %select_n3A_119 : vector<16xf32> to vector<1x16xf32>
        tpu.vector_store %arg5[%swap3A_123, %swap3A_124], %swap3A_127 {strides = array<i32>} : memref<32x2048xf32, #tpu.memory_space<vmem>>, vector<1x16xf32>,
        %add3A_128 = arith.constant 3 : i32
        %add3A_129 = arith.addi %mul3A_12, %add3A_128 : i32
        %eq3A_130 = vector.broadcast %add3A_129 : i32 to vector<16xi32>
        %eq3A_131 = arith.cmpi eq, %get3A_78, %eq3A_130 : vector<16xi32>
        %jit3A_132 = arith.constant 1.000000e+00 : f32
        %jit3A_133 = arith.constant 0.000000e+00 : f32
        %broadcast_in_dim3A_134 = vector.broadcast %jit3A_132 : f32 to vector<16xf32>
        %broadcast_in_dim3A_135 = vector.broadcast %jit3A_133 : f32 to vector<16xf32>
        %select_n3A_136 = arith.select %eq3A_131, %broadcast_in_dim3A_134, %broadcast_in_dim3A_135 : vector<16xi1>, vector<16xf32>
        %mul3A_137 = arith.constant 16 : i32
        %mul3A_138 = arith.muli %scan3A_73, %mul3A_137 : i32
        %swap3A_139 = arith.constant 3 : i32
        %swap3A_140 = arith.index_cast %swap3A_139 : i32 to index
        %swap3A_141 = arith.index_cast %mul3A_138 : i32 to index
        %swap3A_142 = tpu.vector_load %arg5[%swap3A_140, %swap3A_141] {strides = array<i32>} : memref<32x2048xf32, #tpu.memory_space<vmem>>, vector<1x16xf32>,
        %swap3A_143 = vector.shape_cast %swap3A_142 : vector<1x16xf32> to vector<16xf32>
        %swap3A_144 = vector.shape_cast %select_n3A_136 : vector<16xf32> to vector<1x16xf32>
        tpu.vector_store %arg5[%swap3A_140, %swap3A_141], %swap3A_144 {strides = array<i32>} : memref<32x2048xf32, #tpu.memory_space<vmem>>, vector<1x16xf32>,
        %add3A_145 = arith.constant 4 : i32
        %add3A_146 = arith.addi %mul3A_12, %add3A_145 : i32
        %eq3A_147 = vector.broadcast %add3A_146 : i32 to vector<16xi32>
        %eq3A_148 = arith.cmpi eq, %get3A_78, %eq3A_147 : vector<16xi32>
        %jit3A_149 = arith.constant 1.000000e+00 : f32
        %jit3A_150 = arith.constant 0.000000e+00 : f32
        %broadcast_in_dim3A_151 = vector.broadcast %jit3A_149 : f32 to vector<16xf32>
        %broadcast_in_dim3A_152 = vector.broadcast %jit3A_150 : f32 to vector<16xf32>
        %select_n3A_153 = arith.select %eq3A_148, %broadcast_in_dim3A_151, %broadcast_in_dim3A_152 : vector<16xi1>, vector<16xf32>
        %mul3A_154 = arith.constant 16 : i32
        %mul3A_155 = arith.muli %scan3A_73, %mul3A_154 : i32
        %swap3A_156 = arith.constant 4 : i32
        %swap3A_157 = arith.index_cast %swap3A_156 : i32 to index
        %swap3A_158 = arith.index_cast %mul3A_155 : i32 to index
        %swap3A_159 = tpu.vector_load %arg5[%swap3A_157, %swap3A_158] {strides = array<i32>} : memref<32x2048xf32, #tpu.memory_space<vmem>>, vector<1x16xf32>,
        %swap3A_160 = vector.shape_cast %swap3A_159 : vector<1x16xf32> to vector<16xf32>
        %swap3A_161 = vector.shape_cast %select_n3A_153 : vector<16xf32> to vector<1x16xf32>
        tpu.vector_store %arg5[%swap3A_157, %swap3A_158], %swap3A_161 {strides = array<i32>} : memref<32x2048xf32, #tpu.memory_space<vmem>>, vector<1x16xf32>,
        %add3A_162 = arith.constant 5 : i32
        %add3A_163 = arith.addi %mul3A_12, %add3A_162 : i32
        %eq3A_164 = vector.broadcast %add3A_163 : i32 to vector<16xi32>
        %eq3A_165 = arith.cmpi eq, %get3A_78, %eq3A_164 : vector<16xi32>
        %jit3A_166 = arith.constant 1.000000e+00 : f32
        %jit3A_167 = arith.constant 0.000000e+00 : f32
        %broadcast_in_dim3A_168 = vector.broadcast %jit3A_166 : f32 to vector<16xf32>
        %broadcast_in_dim3A_169 = vector.broadcast %jit3A_167 : f32 to vector<16xf32>
        %select_n3A_170 = arith.select %eq3A_165, %broadcast_in_dim3A_168, %broadcast_in_dim3A_169 : vector<16xi1>, vector<16xf32>
        %mul3A_171 = arith.constant 16 : i32
        %mul3A_172 = arith.muli %scan3A_73, %mul3A_171 : i32
        %swap3A_173 = arith.constant 5 : i32
        %swap3A_174 = arith.index_cast %swap3A_173 : i32 to index
        %swap3A_175 = arith.index_cast %mul3A_172 : i32 to index
        %swap3A_176 = tpu.vector_load %arg5[%swap3A_174, %swap3A_175] {strides = array<i32>} : memref<32x2048xf32, #tpu.memory_space<vmem>>, vector<1x16xf32>,
        %swap3A_177 = vector.shape_cast %swap3A_176 : vector<1x16xf32> to vector<16xf32>
        %swap3A_178 = vector.shape_cast %select_n3A_170 : vector<16xf32> to vector<1x16xf32>
        tpu.vector_store %arg5[%swap3A_174, %swap3A_175], %swap3A_178 {strides = array<i32>} : memref<32x2048xf32, #tpu.memory_space<vmem>>, vector<1x16xf32>,
        %add3A_179 = arith.constant 6 : i32
        %add3A_180 = arith.addi %mul3A_12, %add3A_179 : i32
        %eq3A_181 = vector.broadcast %add3A_180 : i32 to vector<16xi32>
        %eq3A_182 = arith.cmpi eq, %get3A_78, %eq3A_181 : vector<16xi32>
        %jit3A_183 = arith.constant 1.000000e+00 : f32
        %jit3A_184 = arith.constant 0.000000e+00 : f32
        %broadcast_in_dim3A_185 = vector.broadcast %jit3A_183 : f32 to vector<16xf32>
        %broadcast_in_dim3A_186 = vector.broadcast %jit3A_184 : f32 to vector<16xf32>
        %select_n3A_187 = arith.select %eq3A_182, %broadcast_in_dim3A_185, %broadcast_in_dim3A_186 : vector<16xi1>, vector<16xf32>
        %mul3A_188 = arith.constant 16 : i32
        %mul3A_189 = arith.muli %scan3A_73, %mul3A_188 : i32
        %swap3A_190 = arith.constant 6 : i32
        %swap3A_191 = arith.index_cast %swap3A_190 : i32 to index
        %swap3A_192 = arith.index_cast %mul3A_189 : i32 to index
        %swap3A_193 = tpu.vector_load %arg5[%swap3A_191, %swap3A_192] {strides = array<i32>} : memref<32x2048xf32, #tpu.memory_space<vmem>>, vector<1x16xf32>,
        %swap3A_194 = vector.shape_cast %swap3A_193 : vector<1x16xf32> to vector<16xf32>
        %swap3A_195 = vector.shape_cast %select_n3A_187 : vector<16xf32> to vector<1x16xf32>
        tpu.vector_store %arg5[%swap3A_191, %swap3A_192], %swap3A_195 {strides = array<i32>} : memref<32x2048xf32, #tpu.memory_space<vmem>>, vector<1x16xf32>,
        %add3A_196 = arith.constant 7 : i32
        %add3A_197 = arith.addi %mul3A_12, %add3A_196 : i32
        %eq3A_198 = vector.broadcast %add3A_197 : i32 to vector<16xi32>
        %eq3A_199 = arith.cmpi eq, %get3A_78, %eq3A_198 : vector<16xi32>
        %jit3A_200 = arith.constant 1.000000e+00 : f32
        %jit3A_201 = arith.constant 0.000000e+00 : f32
        %broadcast_in_dim3A_202 = vector.broadcast %jit3A_200 : f32 to vector<16xf32>
        %broadcast_in_dim3A_203 = vector.broadcast %jit3A_201 : f32 to vector<16xf32>
        %select_n3A_204 = arith.select %eq3A_199, %broadcast_in_dim3A_202, %broadcast_in_dim3A_203 : vector<16xi1>, vector<16xf32>
        %mul3A_205 = arith.constant 16 : i32
        %mul3A_206 = arith.muli %scan3A_73, %mul3A_205 : i32
        %swap3A_207 = arith.constant 7 : i32
        %swap3A_208 = arith.index_cast %swap3A_207 : i32 to index
        %swap3A_209 = arith.index_cast %mul3A_206 : i32 to index
        %swap3A_210 = tpu.vector_load %arg5[%swap3A_208, %swap3A_209] {strides = array<i32>} : memref<32x2048xf32, #tpu.memory_space<vmem>>, vector<1x16xf32>,
        %swap3A_211 = vector.shape_cast %swap3A_210 : vector<1x16xf32> to vector<16xf32>
        %swap3A_212 = vector.shape_cast %select_n3A_204 : vector<16xf32> to vector<1x16xf32>
        tpu.vector_store %arg5[%swap3A_208, %swap3A_209], %swap3A_212 {strides = array<i32>} : memref<32x2048xf32, #tpu.memory_space<vmem>>, vector<1x16xf32>,
        %add3A_213 = arith.constant 8 : i32
        %add3A_214 = arith.addi %mul3A_12, %add3A_213 : i32
        %eq3A_215 = vector.broadcast %add3A_214 : i32 to vector<16xi32>
        %eq3A_216 = arith.cmpi eq, %get3A_78, %eq3A_215 : vector<16xi32>
        %jit3A_217 = arith.constant 1.000000e+00 : f32
        %jit3A_218 = arith.constant 0.000000e+00 : f32
        %broadcast_in_dim3A_219 = vector.broadcast %jit3A_217 : f32 to vector<16xf32>
        %broadcast_in_dim3A_220 = vector.broadcast %jit3A_218 : f32 to vector<16xf32>
        %select_n3A_221 = arith.select %eq3A_216, %broadcast_in_dim3A_219, %broadcast_in_dim3A_220 : vector<16xi1>, vector<16xf32>
        %mul3A_222 = arith.constant 16 : i32
        %mul3A_223 = arith.muli %scan3A_73, %mul3A_222 : i32
        %swap3A_224 = arith.constant 8 : i32
        %swap3A_225 = arith.index_cast %swap3A_224 : i32 to index
        %swap3A_226 = arith.index_cast %mul3A_223 : i32 to index
        %swap3A_227 = tpu.vector_load %arg5[%swap3A_225, %swap3A_226] {strides = array<i32>} : memref<32x2048xf32, #tpu.memory_space<vmem>>, vector<1x16xf32>,
        %swap3A_228 = vector.shape_cast %swap3A_227 : vector<1x16xf32> to vector<16xf32>
        %swap3A_229 = vector.shape_cast %select_n3A_221 : vector<16xf32> to vector<1x16xf32>
        tpu.vector_store %arg5[%swap3A_225, %swap3A_226], %swap3A_229 {strides = array<i32>} : memref<32x2048xf32, #tpu.memory_space<vmem>>, vector<1x16xf32>,
        %add3A_230 = arith.constant 9 : i32
        %add3A_231 = arith.addi %mul3A_12, %add3A_230 : i32
        %eq3A_232 = vector.broadcast %add3A_231 : i32 to vector<16xi32>
        %eq3A_233 = arith.cmpi eq, %get3A_78, %eq3A_232 : vector<16xi32>
        %jit3A_234 = arith.constant 1.000000e+00 : f32
        %jit3A_235 = arith.constant 0.000000e+00 : f32
        %broadcast_in_dim3A_236 = vector.broadcast %jit3A_234 : f32 to vector<16xf32>
        %broadcast_in_dim3A_237 = vector.broadcast %jit3A_235 : f32 to vector<16xf32>
        %select_n3A_238 = arith.select %eq3A_233, %broadcast_in_dim3A_236, %broadcast_in_dim3A_237 : vector<16xi1>, vector<16xf32>
        %mul3A_239 = arith.constant 16 : i32
        %mul3A_240 = arith.muli %scan3A_73, %mul3A_239 : i32
        %swap3A_241 = arith.constant 9 : i32
        %swap3A_242 = arith.index_cast %swap3A_241 : i32 to index
        %swap3A_243 = arith.index_cast %mul3A_240 : i32 to index
        %swap3A_244 = tpu.vector_load %arg5[%swap3A_242, %swap3A_243] {strides = array<i32>} : memref<32x2048xf32, #tpu.memory_space<vmem>>, vector<1x16xf32>,
        %swap3A_245 = vector.shape_cast %swap3A_244 : vector<1x16xf32> to vector<16xf32>
        %swap3A_246 = vector.shape_cast %select_n3A_238 : vector<16xf32> to vector<1x16xf32>
        tpu.vector_store %arg5[%swap3A_242, %swap3A_243], %swap3A_246 {strides = array<i32>} : memref<32x2048xf32, #tpu.memory_space<vmem>>, vector<1x16xf32>,
        %add3A_247 = arith.constant 10 : i32
        %add3A_248 = arith.addi %mul3A_12, %add3A_247 : i32
        %eq3A_249 = vector.broadcast %add3A_248 : i32 to vector<16xi32>
        %eq3A_250 = arith.cmpi eq, %get3A_78, %eq3A_249 : vector<16xi32>
        %jit3A_251 = arith.constant 1.000000e+00 : f32
        %jit3A_252 = arith.constant 0.000000e+00 : f32
        %broadcast_in_dim3A_253 = vector.broadcast %jit3A_251 : f32 to vector<16xf32>
        %broadcast_in_dim3A_254 = vector.broadcast %jit3A_252 : f32 to vector<16xf32>
        %select_n3A_255 = arith.select %eq3A_250, %broadcast_in_dim3A_253, %broadcast_in_dim3A_254 : vector<16xi1>, vector<16xf32>
        %mul3A_256 = arith.constant 16 : i32
        %mul3A_257 = arith.muli %scan3A_73, %mul3A_256 : i32
        %swap3A_258 = arith.constant 10 : i32
        %swap3A_259 = arith.index_cast %swap3A_258 : i32 to index
        %swap3A_260 = arith.index_cast %mul3A_257 : i32 to index
        %swap3A_261 = tpu.vector_load %arg5[%swap3A_259, %swap3A_260] {strides = array<i32>} : memref<32x2048xf32, #tpu.memory_space<vmem>>, vector<1x16xf32>,
        %swap3A_262 = vector.shape_cast %swap3A_261 : vector<1x16xf32> to vector<16xf32>
        %swap3A_263 = vector.shape_cast %select_n3A_255 : vector<16xf32> to vector<1x16xf32>
        tpu.vector_store %arg5[%swap3A_259, %swap3A_260], %swap3A_263 {strides = array<i32>} : memref<32x2048xf32, #tpu.memory_space<vmem>>, vector<1x16xf32>,
        %add3A_264 = arith.constant 11 : i32
        %add3A_265 = arith.addi %mul3A_12, %add3A_264 : i32
        %eq3A_266 = vector.broadcast %add3A_265 : i32 to vector<16xi32>
        %eq3A_267 = arith.cmpi eq, %get3A_78, %eq3A_266 : vector<16xi32>
        %jit3A_268 = arith.constant 1.000000e+00 : f32
        %jit3A_269 = arith.constant 0.000000e+00 : f32
        %broadcast_in_dim3A_270 = vector.broadcast %jit3A_268 : f32 to vector<16xf32>
        %broadcast_in_dim3A_271 = vector.broadcast %jit3A_269 : f32 to vector<16xf32>
        %select_n3A_272 = arith.select %eq3A_267, %broadcast_in_dim3A_270, %broadcast_in_dim3A_271 : vector<16xi1>, vector<16xf32>
        %mul3A_273 = arith.constant 16 : i32
        %mul3A_274 = arith.muli %scan3A_73, %mul3A_273 : i32
        %swap3A_275 = arith.constant 11 : i32
        %swap3A_276 = arith.index_cast %swap3A_275 : i32 to index
        %swap3A_277 = arith.index_cast %mul3A_274 : i32 to index
        %swap3A_278 = tpu.vector_load %arg5[%swap3A_276, %swap3A_277] {strides = array<i32>} : memref<32x2048xf32, #tpu.memory_space<vmem>>, vector<1x16xf32>,
        %swap3A_279 = vector.shape_cast %swap3A_278 : vector<1x16xf32> to vector<16xf32>
        %swap3A_280 = vector.shape_cast %select_n3A_272 : vector<16xf32> to vector<1x16xf32>
        tpu.vector_store %arg5[%swap3A_276, %swap3A_277], %swap3A_280 {strides = array<i32>} : memref<32x2048xf32, #tpu.memory_space<vmem>>, vector<1x16xf32>,
        %add3A_281 = arith.constant 12 : i32
        %add3A_282 = arith.addi %mul3A_12, %add3A_281 : i32
        %eq3A_283 = vector.broadcast %add3A_282 : i32 to vector<16xi32>
        %eq3A_284 = arith.cmpi eq, %get3A_78, %eq3A_283 : vector<16xi32>
        %jit3A_285 = arith.constant 1.000000e+00 : f32
        %jit3A_286 = arith.constant 0.000000e+00 : f32
        %broadcast_in_dim3A_287 = vector.broadcast %jit3A_285 : f32 to vector<16xf32>
        %broadcast_in_dim3A_288 = vector.broadcast %jit3A_286 : f32 to vector<16xf32>
        %select_n3A_289 = arith.select %eq3A_284, %broadcast_in_dim3A_287, %broadcast_in_dim3A_288 : vector<16xi1>, vector<16xf32>
        %mul3A_290 = arith.constant 16 : i32
        %mul3A_291 = arith.muli %scan3A_73, %mul3A_290 : i32
        %swap3A_292 = arith.constant 12 : i32
        %swap3A_293 = arith.index_cast %swap3A_292 : i32 to index
        %swap3A_294 = arith.index_cast %mul3A_291 : i32 to index
        %swap3A_295 = tpu.vector_load %arg5[%swap3A_293, %swap3A_294] {strides = array<i32>} : memref<32x2048xf32, #tpu.memory_space<vmem>>, vector<1x16xf32>,
        %swap3A_296 = vector.shape_cast %swap3A_295 : vector<1x16xf32> to vector<16xf32>
        %swap3A_297 = vector.shape_cast %select_n3A_289 : vector<16xf32> to vector<1x16xf32>
        tpu.vector_store %arg5[%swap3A_293, %swap3A_294], %swap3A_297 {strides = array<i32>} : memref<32x2048xf32, #tpu.memory_space<vmem>>, vector<1x16xf32>,
        %add3A_298 = arith.constant 13 : i32
        %add3A_299 = arith.addi %mul3A_12, %add3A_298 : i32
        %eq3A_300 = vector.broadcast %add3A_299 : i32 to vector<16xi32>
        %eq3A_301 = arith.cmpi eq, %get3A_78, %eq3A_300 : vector<16xi32>
        %jit3A_302 = arith.constant 1.000000e+00 : f32
        %jit3A_303 = arith.constant 0.000000e+00 : f32
        %broadcast_in_dim3A_304 = vector.broadcast %jit3A_302 : f32 to vector<16xf32>
        %broadcast_in_dim3A_305 = vector.broadcast %jit3A_303 : f32 to vector<16xf32>
        %select_n3A_306 = arith.select %eq3A_301, %broadcast_in_dim3A_304, %broadcast_in_dim3A_305 : vector<16xi1>, vector<16xf32>
        %mul3A_307 = arith.constant 16 : i32
        %mul3A_308 = arith.muli %scan3A_73, %mul3A_307 : i32
        %swap3A_309 = arith.constant 13 : i32
        %swap3A_310 = arith.index_cast %swap3A_309 : i32 to index
        %swap3A_311 = arith.index_cast %mul3A_308 : i32 to index
        %swap3A_312 = tpu.vector_load %arg5[%swap3A_310, %swap3A_311] {strides = array<i32>} : memref<32x2048xf32, #tpu.memory_space<vmem>>, vector<1x16xf32>,
        %swap3A_313 = vector.shape_cast %swap3A_312 : vector<1x16xf32> to vector<16xf32>
        %swap3A_314 = vector.shape_cast %select_n3A_306 : vector<16xf32> to vector<1x16xf32>
        tpu.vector_store %arg5[%swap3A_310, %swap3A_311], %swap3A_314 {strides = array<i32>} : memref<32x2048xf32, #tpu.memory_space<vmem>>, vector<1x16xf32>,
        %add3A_315 = arith.constant 14 : i32
        %add3A_316 = arith.addi %mul3A_12, %add3A_315 : i32
        %eq3A_317 = vector.broadcast %add3A_316 : i32 to vector<16xi32>
        %eq3A_318 = arith.cmpi eq, %get3A_78, %eq3A_317 : vector<16xi32>
        %jit3A_319 = arith.constant 1.000000e+00 : f32
        %jit3A_320 = arith.constant 0.000000e+00 : f32
        %broadcast_in_dim3A_321 = vector.broadcast %jit3A_319 : f32 to vector<16xf32>
        %broadcast_in_dim3A_322 = vector.broadcast %jit3A_320 : f32 to vector<16xf32>
        %select_n3A_323 = arith.select %eq3A_318, %broadcast_in_dim3A_321, %broadcast_in_dim3A_322 : vector<16xi1>, vector<16xf32>
        %mul3A_324 = arith.constant 16 : i32
        %mul3A_325 = arith.muli %scan3A_73, %mul3A_324 : i32
        %swap3A_326 = arith.constant 14 : i32
        %swap3A_327 = arith.index_cast %swap3A_326 : i32 to index
        %swap3A_328 = arith.index_cast %mul3A_325 : i32 to index
        %swap3A_329 = tpu.vector_load %arg5[%swap3A_327, %swap3A_328] {strides = array<i32>} : memref<32x2048xf32, #tpu.memory_space<vmem>>, vector<1x16xf32>,
        %swap3A_330 = vector.shape_cast %swap3A_329 : vector<1x16xf32> to vector<16xf32>
        %swap3A_331 = vector.shape_cast %select_n3A_323 : vector<16xf32> to vector<1x16xf32>
        tpu.vector_store %arg5[%swap3A_327, %swap3A_328], %swap3A_331 {strides = array<i32>} : memref<32x2048xf32, #tpu.memory_space<vmem>>, vector<1x16xf32>,
        %add3A_332 = arith.constant 15 : i32
        %add3A_333 = arith.addi %mul3A_12, %add3A_332 : i32
        %eq3A_334 = vector.broadcast %add3A_333 : i32 to vector<16xi32>
        %eq3A_335 = arith.cmpi eq, %get3A_78, %eq3A_334 : vector<16xi32>
        %jit3A_336 = arith.constant 1.000000e+00 : f32
        %jit3A_337 = arith.constant 0.000000e+00 : f32
        %broadcast_in_dim3A_338 = vector.broadcast %jit3A_336 : f32 to vector<16xf32>
        %broadcast_in_dim3A_339 = vector.broadcast %jit3A_337 : f32 to vector<16xf32>
        %select_n3A_340 = arith.select %eq3A_335, %broadcast_in_dim3A_338, %broadcast_in_dim3A_339 : vector<16xi1>, vector<16xf32>
        %mul3A_341 = arith.constant 16 : i32
        %mul3A_342 = arith.muli %scan3A_73, %mul3A_341 : i32
        %swap3A_343 = arith.constant 15 : i32
        %swap3A_344 = arith.index_cast %swap3A_343 : i32 to index
        %swap3A_345 = arith.index_cast %mul3A_342 : i32 to index
        %swap3A_346 = tpu.vector_load %arg5[%swap3A_344, %swap3A_345] {strides = array<i32>} : memref<32x2048xf32, #tpu.memory_space<vmem>>, vector<1x16xf32>,
        %swap3A_347 = vector.shape_cast %swap3A_346 : vector<1x16xf32> to vector<16xf32>
        %swap3A_348 = vector.shape_cast %select_n3A_340 : vector<16xf32> to vector<1x16xf32>
        tpu.vector_store %arg5[%swap3A_344, %swap3A_345], %swap3A_348 {strides = array<i32>} : memref<32x2048xf32, #tpu.memory_space<vmem>>, vector<1x16xf32>,
        %add3A_349 = arith.constant 16 : i32
        %add3A_350 = arith.addi %mul3A_12, %add3A_349 : i32
        %eq3A_351 = vector.broadcast %add3A_350 : i32 to vector<16xi32>
        %eq3A_352 = arith.cmpi eq, %get3A_78, %eq3A_351 : vector<16xi32>
        %jit3A_353 = arith.constant 1.000000e+00 : f32
        %jit3A_354 = arith.constant 0.000000e+00 : f32
        %broadcast_in_dim3A_355 = vector.broadcast %jit3A_353 : f32 to vector<16xf32>
        %broadcast_in_dim3A_356 = vector.broadcast %jit3A_354 : f32 to vector<16xf32>
        %select_n3A_357 = arith.select %eq3A_352, %broadcast_in_dim3A_355, %broadcast_in_dim3A_356 : vector<16xi1>, vector<16xf32>
        %mul3A_358 = arith.constant 16 : i32
        %mul3A_359 = arith.muli %scan3A_73, %mul3A_358 : i32
        %swap3A_360 = arith.constant 16 : i32
        %swap3A_361 = arith.index_cast %swap3A_360 : i32 to index
        %swap3A_362 = arith.index_cast %mul3A_359 : i32 to index
        %swap3A_363 = tpu.vector_load %arg5[%swap3A_361, %swap3A_362] {strides = array<i32>} : memref<32x2048xf32, #tpu.memory_space<vmem>>, vector<1x16xf32>,
        %swap3A_364 = vector.shape_cast %swap3A_363 : vector<1x16xf32> to vector<16xf32>
        %swap3A_365 = vector.shape_cast %select_n3A_357 : vector<16xf32> to vector<1x16xf32>
        tpu.vector_store %arg5[%swap3A_361, %swap3A_362], %swap3A_365 {strides = array<i32>} : memref<32x2048xf32, #tpu.memory_space<vmem>>, vector<1x16xf32>,
        %add3A_366 = arith.constant 17 : i32
        %add3A_367 = arith.addi %mul3A_12, %add3A_366 : i32
        %eq3A_368 = vector.broadcast %add3A_367 : i32 to vector<16xi32>
        %eq3A_369 = arith.cmpi eq, %get3A_78, %eq3A_368 : vector<16xi32>
        %jit3A_370 = arith.constant 1.000000e+00 : f32
        %jit3A_371 = arith.constant 0.000000e+00 : f32
        %broadcast_in_dim3A_372 = vector.broadcast %jit3A_370 : f32 to vector<16xf32>
        %broadcast_in_dim3A_373 = vector.broadcast %jit3A_371 : f32 to vector<16xf32>
        %select_n3A_374 = arith.select %eq3A_369, %broadcast_in_dim3A_372, %broadcast_in_dim3A_373 : vector<16xi1>, vector<16xf32>
        %mul3A_375 = arith.constant 16 : i32
        %mul3A_376 = arith.muli %scan3A_73, %mul3A_375 : i32
        %swap3A_377 = arith.constant 17 : i32
        %swap3A_378 = arith.index_cast %swap3A_377 : i32 to index
        %swap3A_379 = arith.index_cast %mul3A_376 : i32 to index
        %swap3A_380 = tpu.vector_load %arg5[%swap3A_378, %swap3A_379] {strides = array<i32>} : memref<32x2048xf32, #tpu.memory_space<vmem>>, vector<1x16xf32>,
        %swap3A_381 = vector.shape_cast %swap3A_380 : vector<1x16xf32> to vector<16xf32>
        %swap3A_382 = vector.shape_cast %select_n3A_374 : vector<16xf32> to vector<1x16xf32>
        tpu.vector_store %arg5[%swap3A_378, %swap3A_379], %swap3A_382 {strides = array<i32>} : memref<32x2048xf32, #tpu.memory_space<vmem>>, vector<1x16xf32>,
        %add3A_383 = arith.constant 18 : i32
        %add3A_384 = arith.addi %mul3A_12, %add3A_383 : i32
        %eq3A_385 = vector.broadcast %add3A_384 : i32 to vector<16xi32>
        %eq3A_386 = arith.cmpi eq, %get3A_78, %eq3A_385 : vector<16xi32>
        %jit3A_387 = arith.constant 1.000000e+00 : f32
        %jit3A_388 = arith.constant 0.000000e+00 : f32
        %broadcast_in_dim3A_389 = vector.broadcast %jit3A_387 : f32 to vector<16xf32>
        %broadcast_in_dim3A_390 = vector.broadcast %jit3A_388 : f32 to vector<16xf32>
        %select_n3A_391 = arith.select %eq3A_386, %broadcast_in_dim3A_389, %broadcast_in_dim3A_390 : vector<16xi1>, vector<16xf32>
        %mul3A_392 = arith.constant 16 : i32
        %mul3A_393 = arith.muli %scan3A_73, %mul3A_392 : i32
        %swap3A_394 = arith.constant 18 : i32
        %swap3A_395 = arith.index_cast %swap3A_394 : i32 to index
        %swap3A_396 = arith.index_cast %mul3A_393 : i32 to index
        %swap3A_397 = tpu.vector_load %arg5[%swap3A_395, %swap3A_396] {strides = array<i32>} : memref<32x2048xf32, #tpu.memory_space<vmem>>, vector<1x16xf32>,
        %swap3A_398 = vector.shape_cast %swap3A_397 : vector<1x16xf32> to vector<16xf32>
        %swap3A_399 = vector.shape_cast %select_n3A_391 : vector<16xf32> to vector<1x16xf32>
        tpu.vector_store %arg5[%swap3A_395, %swap3A_396], %swap3A_399 {strides = array<i32>} : memref<32x2048xf32, #tpu.memory_space<vmem>>, vector<1x16xf32>,
        %add3A_400 = arith.constant 19 : i32
        %add3A_401 = arith.addi %mul3A_12, %add3A_400 : i32
        %eq3A_402 = vector.broadcast %add3A_401 : i32 to vector<16xi32>
        %eq3A_403 = arith.cmpi eq, %get3A_78, %eq3A_402 : vector<16xi32>
        %jit3A_404 = arith.constant 1.000000e+00 : f32
        %jit3A_405 = arith.constant 0.000000e+00 : f32
        %broadcast_in_dim3A_406 = vector.broadcast %jit3A_404 : f32 to vector<16xf32>
        %broadcast_in_dim3A_407 = vector.broadcast %jit3A_405 : f32 to vector<16xf32>
        %select_n3A_408 = arith.select %eq3A_403, %broadcast_in_dim3A_406, %broadcast_in_dim3A_407 : vector<16xi1>, vector<16xf32>
        %mul3A_409 = arith.constant 16 : i32
        %mul3A_410 = arith.muli %scan3A_73, %mul3A_409 : i32
        %swap3A_411 = arith.constant 19 : i32
        %swap3A_412 = arith.index_cast %swap3A_411 : i32 to index
        %swap3A_413 = arith.index_cast %mul3A_410 : i32 to index
        %swap3A_414 = tpu.vector_load %arg5[%swap3A_412, %swap3A_413] {strides = array<i32>} : memref<32x2048xf32, #tpu.memory_space<vmem>>, vector<1x16xf32>,
        %swap3A_415 = vector.shape_cast %swap3A_414 : vector<1x16xf32> to vector<16xf32>
        %swap3A_416 = vector.shape_cast %select_n3A_408 : vector<16xf32> to vector<1x16xf32>
        tpu.vector_store %arg5[%swap3A_412, %swap3A_413], %swap3A_416 {strides = array<i32>} : memref<32x2048xf32, #tpu.memory_space<vmem>>, vector<1x16xf32>,
        %add3A_417 = arith.constant 20 : i32
        %add3A_418 = arith.addi %mul3A_12, %add3A_417 : i32
        %eq3A_419 = vector.broadcast %add3A_418 : i32 to vector<16xi32>
        %eq3A_420 = arith.cmpi eq, %get3A_78, %eq3A_419 : vector<16xi32>
        %jit3A_421 = arith.constant 1.000000e+00 : f32
        %jit3A_422 = arith.constant 0.000000e+00 : f32
        %broadcast_in_dim3A_423 = vector.broadcast %jit3A_421 : f32 to vector<16xf32>
        %broadcast_in_dim3A_424 = vector.broadcast %jit3A_422 : f32 to vector<16xf32>
        %select_n3A_425 = arith.select %eq3A_420, %broadcast_in_dim3A_423, %broadcast_in_dim3A_424 : vector<16xi1>, vector<16xf32>
        %mul3A_426 = arith.constant 16 : i32
        %mul3A_427 = arith.muli %scan3A_73, %mul3A_426 : i32
        %swap3A_428 = arith.constant 20 : i32
        %swap3A_429 = arith.index_cast %swap3A_428 : i32 to index
        %swap3A_430 = arith.index_cast %mul3A_427 : i32 to index
        %swap3A_431 = tpu.vector_load %arg5[%swap3A_429, %swap3A_430] {strides = array<i32>} : memref<32x2048xf32, #tpu.memory_space<vmem>>, vector<1x16xf32>,
        %swap3A_432 = vector.shape_cast %swap3A_431 : vector<1x16xf32> to vector<16xf32>
        %swap3A_433 = vector.shape_cast %select_n3A_425 : vector<16xf32> to vector<1x16xf32>
        tpu.vector_store %arg5[%swap3A_429, %swap3A_430], %swap3A_433 {strides = array<i32>} : memref<32x2048xf32, #tpu.memory_space<vmem>>, vector<1x16xf32>,
        %add3A_434 = arith.constant 21 : i32
        %add3A_435 = arith.addi %mul3A_12, %add3A_434 : i32
        %eq3A_436 = vector.broadcast %add3A_435 : i32 to vector<16xi32>
        %eq3A_437 = arith.cmpi eq, %get3A_78, %eq3A_436 : vector<16xi32>
        %jit3A_438 = arith.constant 1.000000e+00 : f32
        %jit3A_439 = arith.constant 0.000000e+00 : f32
        %broadcast_in_dim3A_440 = vector.broadcast %jit3A_438 : f32 to vector<16xf32>
        %broadcast_in_dim3A_441 = vector.broadcast %jit3A_439 : f32 to vector<16xf32>
        %select_n3A_442 = arith.select %eq3A_437, %broadcast_in_dim3A_440, %broadcast_in_dim3A_441 : vector<16xi1>, vector<16xf32>
        %mul3A_443 = arith.constant 16 : i32
        %mul3A_444 = arith.muli %scan3A_73, %mul3A_443 : i32
        %swap3A_445 = arith.constant 21 : i32
        %swap3A_446 = arith.index_cast %swap3A_445 : i32 to index
        %swap3A_447 = arith.index_cast %mul3A_444 : i32 to index
        %swap3A_448 = tpu.vector_load %arg5[%swap3A_446, %swap3A_447] {strides = array<i32>} : memref<32x2048xf32, #tpu.memory_space<vmem>>, vector<1x16xf32>,
        %swap3A_449 = vector.shape_cast %swap3A_448 : vector<1x16xf32> to vector<16xf32>
        %swap3A_450 = vector.shape_cast %select_n3A_442 : vector<16xf32> to vector<1x16xf32>
        tpu.vector_store %arg5[%swap3A_446, %swap3A_447], %swap3A_450 {strides = array<i32>} : memref<32x2048xf32, #tpu.memory_space<vmem>>, vector<1x16xf32>,
        %add3A_451 = arith.constant 22 : i32
        %add3A_452 = arith.addi %mul3A_12, %add3A_451 : i32
        %eq3A_453 = vector.broadcast %add3A_452 : i32 to vector<16xi32>
        %eq3A_454 = arith.cmpi eq, %get3A_78, %eq3A_453 : vector<16xi32>
        %jit3A_455 = arith.constant 1.000000e+00 : f32
        %jit3A_456 = arith.constant 0.000000e+00 : f32
        %broadcast_in_dim3A_457 = vector.broadcast %jit3A_455 : f32 to vector<16xf32>
        %broadcast_in_dim3A_458 = vector.broadcast %jit3A_456 : f32 to vector<16xf32>
        %select_n3A_459 = arith.select %eq3A_454, %broadcast_in_dim3A_457, %broadcast_in_dim3A_458 : vector<16xi1>, vector<16xf32>
        %mul3A_460 = arith.constant 16 : i32
        %mul3A_461 = arith.muli %scan3A_73, %mul3A_460 : i32
        %swap3A_462 = arith.constant 22 : i32
        %swap3A_463 = arith.index_cast %swap3A_462 : i32 to index
        %swap3A_464 = arith.index_cast %mul3A_461 : i32 to index
        %swap3A_465 = tpu.vector_load %arg5[%swap3A_463, %swap3A_464] {strides = array<i32>} : memref<32x2048xf32, #tpu.memory_space<vmem>>, vector<1x16xf32>,
        %swap3A_466 = vector.shape_cast %swap3A_465 : vector<1x16xf32> to vector<16xf32>
        %swap3A_467 = vector.shape_cast %select_n3A_459 : vector<16xf32> to vector<1x16xf32>
        tpu.vector_store %arg5[%swap3A_463, %swap3A_464], %swap3A_467 {strides = array<i32>} : memref<32x2048xf32, #tpu.memory_space<vmem>>, vector<1x16xf32>,
        %add3A_468 = arith.constant 23 : i32
        %add3A_469 = arith.addi %mul3A_12, %add3A_468 : i32
        %eq3A_470 = vector.broadcast %add3A_469 : i32 to vector<16xi32>
        %eq3A_471 = arith.cmpi eq, %get3A_78, %eq3A_470 : vector<16xi32>
        %jit3A_472 = arith.constant 1.000000e+00 : f32
        %jit3A_473 = arith.constant 0.000000e+00 : f32
        %broadcast_in_dim3A_474 = vector.broadcast %jit3A_472 : f32 to vector<16xf32>
        %broadcast_in_dim3A_475 = vector.broadcast %jit3A_473 : f32 to vector<16xf32>
        %select_n3A_476 = arith.select %eq3A_471, %broadcast_in_dim3A_474, %broadcast_in_dim3A_475 : vector<16xi1>, vector<16xf32>
        %mul3A_477 = arith.constant 16 : i32
        %mul3A_478 = arith.muli %scan3A_73, %mul3A_477 : i32
        %swap3A_479 = arith.constant 23 : i32
        %swap3A_480 = arith.index_cast %swap3A_479 : i32 to index
        %swap3A_481 = arith.index_cast %mul3A_478 : i32 to index
        %swap3A_482 = tpu.vector_load %arg5[%swap3A_480, %swap3A_481] {strides = array<i32>} : memref<32x2048xf32, #tpu.memory_space<vmem>>, vector<1x16xf32>,
        %swap3A_483 = vector.shape_cast %swap3A_482 : vector<1x16xf32> to vector<16xf32>
        %swap3A_484 = vector.shape_cast %select_n3A_476 : vector<16xf32> to vector<1x16xf32>
        tpu.vector_store %arg5[%swap3A_480, %swap3A_481], %swap3A_484 {strides = array<i32>} : memref<32x2048xf32, #tpu.memory_space<vmem>>, vector<1x16xf32>,
        %eq3A_485 = arith.constant 4 : i32
        %eq3A_486 = arith.cmpi eq, %select_n3A_10, %eq3A_485 : i32
        %convert_element_type3A_487 = arith.extui %eq3A_486 : i1 to i32
        %cond3A_488 = arith.constant 1.000000e+00 : f32
        %cond3A_489 = arith.constant 0.000000e+00 : f32
        %cond3A_490 = arith.constant 0 : i32
        %cond3A_491 = arith.cmpi ne, %convert_element_type3A_487, %cond3A_490 : i32
        scf.if %cond3A_491 {
          %add3A_493 = arith.constant 24 : i32
          %add3A_494 = arith.addi %mul3A_12, %add3A_493 : i32
          %eq3A_495 = vector.broadcast %add3A_494 : i32 to vector<16xi32>
          %eq3A_496 = arith.cmpi eq, %get3A_78, %eq3A_495 : vector<16xi32>
          %broadcast_in_dim3A_497 = vector.broadcast %cond3A_488 : f32 to vector<16xf32>
          %broadcast_in_dim3A_498 = vector.broadcast %cond3A_489 : f32 to vector<16xf32>
          %select_n3A_499 = arith.select %eq3A_496, %broadcast_in_dim3A_497, %broadcast_in_dim3A_498 : vector<16xi1>, vector<16xf32>
          %mul3A_500 = arith.constant 16 : i32
          %mul3A_501 = arith.muli %scan3A_73, %mul3A_500 : i32
          %swap3A_502 = arith.constant 24 : i32
          %swap3A_503 = arith.index_cast %swap3A_502 : i32 to index
          %swap3A_504 = arith.index_cast %mul3A_501 : i32 to index
          %swap3A_505 = tpu.vector_load %arg5[%swap3A_503, %swap3A_504] {strides = array<i32>} : memref<32x2048xf32, #tpu.memory_space<vmem>>, vector<1x16xf32>,
          %swap3A_506 = vector.shape_cast %swap3A_505 : vector<1x16xf32> to vector<16xf32>
          %swap3A_507 = vector.shape_cast %select_n3A_499 : vector<16xf32> to vector<1x16xf32>
          tpu.vector_store %arg5[%swap3A_503, %swap3A_504], %swap3A_507 {strides = array<i32>} : memref<32x2048xf32, #tpu.memory_space<vmem>>, vector<1x16xf32>,
          %add3A_508 = arith.constant 25 : i32
          %add3A_509 = arith.addi %mul3A_12, %add3A_508 : i32
          %eq3A_510 = vector.broadcast %add3A_509 : i32 to vector<16xi32>
          %eq3A_511 = arith.cmpi eq, %get3A_78, %eq3A_510 : vector<16xi32>
          %broadcast_in_dim3A_512 = vector.broadcast %cond3A_488 : f32 to vector<16xf32>
          %broadcast_in_dim3A_513 = vector.broadcast %cond3A_489 : f32 to vector<16xf32>
          %select_n3A_514 = arith.select %eq3A_511, %broadcast_in_dim3A_512, %broadcast_in_dim3A_513 : vector<16xi1>, vector<16xf32>
          %mul3A_515 = arith.constant 16 : i32
          %mul3A_516 = arith.muli %scan3A_73, %mul3A_515 : i32
          %swap3A_517 = arith.constant 25 : i32
          %swap3A_518 = arith.index_cast %swap3A_517 : i32 to index
          %swap3A_519 = arith.index_cast %mul3A_516 : i32 to index
          %swap3A_520 = tpu.vector_load %arg5[%swap3A_518, %swap3A_519] {strides = array<i32>} : memref<32x2048xf32, #tpu.memory_space<vmem>>, vector<1x16xf32>,
          %swap3A_521 = vector.shape_cast %swap3A_520 : vector<1x16xf32> to vector<16xf32>
          %swap3A_522 = vector.shape_cast %select_n3A_514 : vector<16xf32> to vector<1x16xf32>
          tpu.vector_store %arg5[%swap3A_518, %swap3A_519], %swap3A_522 {strides = array<i32>} : memref<32x2048xf32, #tpu.memory_space<vmem>>, vector<1x16xf32>,
          %add3A_523 = arith.constant 26 : i32
          %add3A_524 = arith.addi %mul3A_12, %add3A_523 : i32
          %eq3A_525 = vector.broadcast %add3A_524 : i32 to vector<16xi32>
          %eq3A_526 = arith.cmpi eq, %get3A_78, %eq3A_525 : vector<16xi32>
          %broadcast_in_dim3A_527 = vector.broadcast %cond3A_488 : f32 to vector<16xf32>
          %broadcast_in_dim3A_528 = vector.broadcast %cond3A_489 : f32 to vector<16xf32>
          %select_n3A_529 = arith.select %eq3A_526, %broadcast_in_dim3A_527, %broadcast_in_dim3A_528 : vector<16xi1>, vector<16xf32>
          %mul3A_530 = arith.constant 16 : i32
          %mul3A_531 = arith.muli %scan3A_73, %mul3A_530 : i32
          %swap3A_532 = arith.constant 26 : i32
          %swap3A_533 = arith.index_cast %swap3A_532 : i32 to index
          %swap3A_534 = arith.index_cast %mul3A_531 : i32 to index
          %swap3A_535 = tpu.vector_load %arg5[%swap3A_533, %swap3A_534] {strides = array<i32>} : memref<32x2048xf32, #tpu.memory_space<vmem>>, vector<1x16xf32>,
          %swap3A_536 = vector.shape_cast %swap3A_535 : vector<1x16xf32> to vector<16xf32>
          %swap3A_537 = vector.shape_cast %select_n3A_529 : vector<16xf32> to vector<1x16xf32>
          tpu.vector_store %arg5[%swap3A_533, %swap3A_534], %swap3A_537 {strides = array<i32>} : memref<32x2048xf32, #tpu.memory_space<vmem>>, vector<1x16xf32>,
          %add3A_538 = arith.constant 27 : i32
          %add3A_539 = arith.addi %mul3A_12, %add3A_538 : i32
          %eq3A_540 = vector.broadcast %add3A_539 : i32 to vector<16xi32>
          %eq3A_541 = arith.cmpi eq, %get3A_78, %eq3A_540 : vector<16xi32>
          %broadcast_in_dim3A_542 = vector.broadcast %cond3A_488 : f32 to vector<16xf32>
          %broadcast_in_dim3A_543 = vector.broadcast %cond3A_489 : f32 to vector<16xf32>
          %select_n3A_544 = arith.select %eq3A_541, %broadcast_in_dim3A_542, %broadcast_in_dim3A_543 : vector<16xi1>, vector<16xf32>
          %mul3A_545 = arith.constant 16 : i32
          %mul3A_546 = arith.muli %scan3A_73, %mul3A_545 : i32
          %swap3A_547 = arith.constant 27 : i32
          %swap3A_548 = arith.index_cast %swap3A_547 : i32 to index
          %swap3A_549 = arith.index_cast %mul3A_546 : i32 to index
          %swap3A_550 = tpu.vector_load %arg5[%swap3A_548, %swap3A_549] {strides = array<i32>} : memref<32x2048xf32, #tpu.memory_space<vmem>>, vector<1x16xf32>,
          %swap3A_551 = vector.shape_cast %swap3A_550 : vector<1x16xf32> to vector<16xf32>
          %swap3A_552 = vector.shape_cast %select_n3A_544 : vector<16xf32> to vector<1x16xf32>
          tpu.vector_store %arg5[%swap3A_548, %swap3A_549], %swap3A_552 {strides = array<i32>} : memref<32x2048xf32, #tpu.memory_space<vmem>>, vector<1x16xf32>,
          %add3A_553 = arith.constant 28 : i32
          %add3A_554 = arith.addi %mul3A_12, %add3A_553 : i32
          %eq3A_555 = vector.broadcast %add3A_554 : i32 to vector<16xi32>
          %eq3A_556 = arith.cmpi eq, %get3A_78, %eq3A_555 : vector<16xi32>
          %broadcast_in_dim3A_557 = vector.broadcast %cond3A_488 : f32 to vector<16xf32>
          %broadcast_in_dim3A_558 = vector.broadcast %cond3A_489 : f32 to vector<16xf32>
          %select_n3A_559 = arith.select %eq3A_556, %broadcast_in_dim3A_557, %broadcast_in_dim3A_558 : vector<16xi1>, vector<16xf32>
          %mul3A_560 = arith.constant 16 : i32
          %mul3A_561 = arith.muli %scan3A_73, %mul3A_560 : i32
          %swap3A_562 = arith.constant 28 : i32
          %swap3A_563 = arith.index_cast %swap3A_562 : i32 to index
          %swap3A_564 = arith.index_cast %mul3A_561 : i32 to index
          %swap3A_565 = tpu.vector_load %arg5[%swap3A_563, %swap3A_564] {strides = array<i32>} : memref<32x2048xf32, #tpu.memory_space<vmem>>, vector<1x16xf32>,
          %swap3A_566 = vector.shape_cast %swap3A_565 : vector<1x16xf32> to vector<16xf32>
          %swap3A_567 = vector.shape_cast %select_n3A_559 : vector<16xf32> to vector<1x16xf32>
          tpu.vector_store %arg5[%swap3A_563, %swap3A_564], %swap3A_567 {strides = array<i32>} : memref<32x2048xf32, #tpu.memory_space<vmem>>, vector<1x16xf32>,
          %add3A_568 = arith.constant 29 : i32
          %add3A_569 = arith.addi %mul3A_12, %add3A_568 : i32
          %eq3A_570 = vector.broadcast %add3A_569 : i32 to vector<16xi32>
          %eq3A_571 = arith.cmpi eq, %get3A_78, %eq3A_570 : vector<16xi32>
          %broadcast_in_dim3A_572 = vector.broadcast %cond3A_488 : f32 to vector<16xf32>
          %broadcast_in_dim3A_573 = vector.broadcast %cond3A_489 : f32 to vector<16xf32>
          %select_n3A_574 = arith.select %eq3A_571, %broadcast_in_dim3A_572, %broadcast_in_dim3A_573 : vector<16xi1>, vector<16xf32>
          %mul3A_575 = arith.constant 16 : i32
          %mul3A_576 = arith.muli %scan3A_73, %mul3A_575 : i32
          %swap3A_577 = arith.constant 29 : i32
          %swap3A_578 = arith.index_cast %swap3A_577 : i32 to index
          %swap3A_579 = arith.index_cast %mul3A_576 : i32 to index
          %swap3A_580 = tpu.vector_load %arg5[%swap3A_578, %swap3A_579] {strides = array<i32>} : memref<32x2048xf32, #tpu.memory_space<vmem>>, vector<1x16xf32>,
          %swap3A_581 = vector.shape_cast %swap3A_580 : vector<1x16xf32> to vector<16xf32>
          %swap3A_582 = vector.shape_cast %select_n3A_574 : vector<16xf32> to vector<1x16xf32>
          tpu.vector_store %arg5[%swap3A_578, %swap3A_579], %swap3A_582 {strides = array<i32>} : memref<32x2048xf32, #tpu.memory_space<vmem>>, vector<1x16xf32>,
          %add3A_583 = arith.constant 30 : i32
          %add3A_584 = arith.addi %mul3A_12, %add3A_583 : i32
          %eq3A_585 = vector.broadcast %add3A_584 : i32 to vector<16xi32>
          %eq3A_586 = arith.cmpi eq, %get3A_78, %eq3A_585 : vector<16xi32>
          %broadcast_in_dim3A_587 = vector.broadcast %cond3A_488 : f32 to vector<16xf32>
          %broadcast_in_dim3A_588 = vector.broadcast %cond3A_489 : f32 to vector<16xf32>
          %select_n3A_589 = arith.select %eq3A_586, %broadcast_in_dim3A_587, %broadcast_in_dim3A_588 : vector<16xi1>, vector<16xf32>
          %mul3A_590 = arith.constant 16 : i32
          %mul3A_591 = arith.muli %scan3A_73, %mul3A_590 : i32
          %swap3A_592 = arith.constant 30 : i32
          %swap3A_593 = arith.index_cast %swap3A_592 : i32 to index
          %swap3A_594 = arith.index_cast %mul3A_591 : i32 to index
          %swap3A_595 = tpu.vector_load %arg5[%swap3A_593, %swap3A_594] {strides = array<i32>} : memref<32x2048xf32, #tpu.memory_space<vmem>>, vector<1x16xf32>,
          %swap3A_596 = vector.shape_cast %swap3A_595 : vector<1x16xf32> to vector<16xf32>
          %swap3A_597 = vector.shape_cast %select_n3A_589 : vector<16xf32> to vector<1x16xf32>
          tpu.vector_store %arg5[%swap3A_593, %swap3A_594], %swap3A_597 {strides = array<i32>} : memref<32x2048xf32, #tpu.memory_space<vmem>>, vector<1x16xf32>,
          %add3A_598 = arith.constant 31 : i32
          %add3A_599 = arith.addi %mul3A_12, %add3A_598 : i32
          %eq3A_600 = vector.broadcast %add3A_599 : i32 to vector<16xi32>
          %eq3A_601 = arith.cmpi eq, %get3A_78, %eq3A_600 : vector<16xi32>
          %broadcast_in_dim3A_602 = vector.broadcast %cond3A_488 : f32 to vector<16xf32>
          %broadcast_in_dim3A_603 = vector.broadcast %cond3A_489 : f32 to vector<16xf32>
          %select_n3A_604 = arith.select %eq3A_601, %broadcast_in_dim3A_602, %broadcast_in_dim3A_603 : vector<16xi1>, vector<16xf32>
          %mul3A_605 = arith.constant 16 : i32
          %mul3A_606 = arith.muli %scan3A_73, %mul3A_605 : i32
          %swap3A_607 = arith.constant 31 : i32
          %swap3A_608 = arith.index_cast %swap3A_607 : i32 to index
          %swap3A_609 = arith.index_cast %mul3A_606 : i32 to index
          %swap3A_610 = tpu.vector_load %arg5[%swap3A_608, %swap3A_609] {strides = array<i32>} : memref<32x2048xf32, #tpu.memory_space<vmem>>, vector<1x16xf32>,
          %swap3A_611 = vector.shape_cast %swap3A_610 : vector<1x16xf32> to vector<16xf32>
          %swap3A_612 = vector.shape_cast %select_n3A_604 : vector<16xf32> to vector<1x16xf32>
          tpu.vector_store %arg5[%swap3A_608, %swap3A_609], %swap3A_612 {strides = array<i32>} : memref<32x2048xf32, #tpu.memory_space<vmem>>, vector<1x16xf32>,
        } else {
        }
        %scan3A_492 = arith.constant 0 : i32
        scf.yield %scan3A_492 : i32
      }
      %scan3A_63 = arith.constant 128 : i32
      %eq3A_64 = arith.constant 4 : i32
      %eq3A_65 = arith.cmpi eq, %select_n3A_10, %eq3A_64 : i32
      %convert_element_type3A = arith.extui %eq3A_65 : i1 to i32
      %cond3A = arith.constant 0 : i32
      %cond3A_66 = arith.cmpi ne, %convert_element_type3A, %cond3A : i32
      scf.if %cond3A_66 {
        %mul3A_73 = arith.constant 2048 : i32
        %mul3A_74 = arith.muli %select_n3A_54, %mul3A_73 : i32
        "tpu.region"() ({
          %run_scoped3A_75 = tpu.sem_alloc : memref<!tpu.dma_semaphore, #tpu.memory_space<semaphore_mem>>
          %dma_start3A = tpu.memref_slice %arg3[%select_n3A_39, %mul3A_12, %mul3A_74] : memref<20x1000x4096xf32, #tpu.memory_space<hbm>> -> memref<1x32x2048xf32, #tpu.memory_space<hbm>>
          %dma_start3A_76 = tpu.memref_squeeze %dma_start3A : memref<1x32x2048xf32, #tpu.memory_space<hbm>> -> memref<32x2048xf32, #tpu.memory_space<hbm>>
          %dma_start3A_77 = tpu.memref_slice %arg3[%select_n3A_39, %mul3A_12, %mul3A_74] : memref<20x1000x4096xf32, #tpu.memory_space<hbm>> -> memref<1x32x2048xf32, #tpu.memory_space<hbm>>
          %dma_start3A_78 = tpu.memref_squeeze %dma_start3A_77 : memref<1x32x2048xf32, #tpu.memory_space<hbm>> -> memref<32x2048xf32, #tpu.memory_space<hbm>>
          tpu.enqueue_dma source(%arg5 : memref<32x2048xf32, #tpu.memory_space<vmem>>) target(%dma_start3A_78 : memref<32x2048xf32, #tpu.memory_space<hbm>>) target_semaphore(%run_scoped3A_75 : memref<!tpu.dma_semaphore, #tpu.memory_space<semaphore_mem>>)
          %dma_wait3A = tpu.memref_slice %arg3[%select_n3A_39, %mul3A_12, %mul3A_74] : memref<20x1000x4096xf32, #tpu.memory_space<hbm>> -> memref<1x32x2048xf32, #tpu.memory_space<hbm>>
          %dma_wait3A_79 = tpu.memref_squeeze %dma_wait3A : memref<1x32x2048xf32, #tpu.memory_space<hbm>> -> memref<32x2048xf32, #tpu.memory_space<hbm>>
          %dma_wait3A_80 = tpu.memref_slice %arg3[%select_n3A_39, %mul3A_12, %mul3A_74] : memref<20x1000x4096xf32, #tpu.memory_space<hbm>> -> memref<1x32x2048xf32, #tpu.memory_space<hbm>>
          %dma_wait3A_81 = tpu.memref_squeeze %dma_wait3A_80 : memref<1x32x2048xf32, #tpu.memory_space<hbm>> -> memref<32x2048xf32, #tpu.memory_space<hbm>>
          tpu.wait_dma2 semaphore(%run_scoped3A_75 : memref<!tpu.dma_semaphore, #tpu.memory_space<semaphore_mem>>) src(%arg5 : memref<32x2048xf32, #tpu.memory_space<vmem>>) dst(%dma_wait3A_81 : memref<32x2048xf32, #tpu.memory_space<hbm>>)
          tpu.yield
        }) : () -> ()
      } else {
      }
      %eq3A_67 = arith.constant 3 : i32
      %eq3A_68 = arith.cmpi eq, %select_n3A_10, %eq3A_67 : i32
      %convert_element_type3A_69 = arith.extui %eq3A_68 : i1 to i32
      %cond3A_70 = arith.constant 0 : i32
      %cond3A_71 = arith.cmpi ne, %convert_element_type3A_69, %cond3A_70 : i32
      scf.if %cond3A_71 {
        %mul3A_73 = arith.constant 2048 : i32
        %mul3A_74 = arith.muli %select_n3A_54, %mul3A_73 : i32
        "tpu.region"() ({
          %run_scoped3A_75 = tpu.sem_alloc : memref<!tpu.dma_semaphore, #tpu.memory_space<semaphore_mem>>
          %dma_start3A = arith.constant 0 : i32
          %dma_start3A_76 = arith.constant 0 : i32
          %dma_start3A_77 = tpu.memref_slice %arg5[%dma_start3A, %dma_start3A_76] : memref<32x2048xf32, #tpu.memory_space<vmem>> -> memref<24x2048xf32, #tpu.memory_space<vmem>>
          %dma_start3A_78 = tpu.memref_slice %arg3[%select_n3A_39, %mul3A_12, %mul3A_74] : memref<20x1000x4096xf32, #tpu.memory_space<hbm>> -> memref<1x24x2048xf32, #tpu.memory_space<hbm>>
          %dma_start3A_79 = tpu.memref_squeeze %dma_start3A_78 : memref<1x24x2048xf32, #tpu.memory_space<hbm>> -> memref<24x2048xf32, #tpu.memory_space<hbm>>
          %dma_start3A_80 = tpu.memref_slice %arg3[%select_n3A_39, %mul3A_12, %mul3A_74] : memref<20x1000x4096xf32, #tpu.memory_space<hbm>> -> memref<1x24x2048xf32, #tpu.memory_space<hbm>>
          %dma_start3A_81 = tpu.memref_squeeze %dma_start3A_80 : memref<1x24x2048xf32, #tpu.memory_space<hbm>> -> memref<24x2048xf32, #tpu.memory_space<hbm>>
          %dma_start3A_82 = arith.constant 0 : i32
          %dma_start3A_83 = arith.constant 0 : i32
          %dma_start3A_84 = tpu.memref_slice %arg5[%dma_start3A_82, %dma_start3A_83] : memref<32x2048xf32, #tpu.memory_space<vmem>> -> memref<24x2048xf32, #tpu.memory_space<vmem>>
          tpu.enqueue_dma source(%dma_start3A_84 : memref<24x2048xf32, #tpu.memory_space<vmem>>) target(%dma_start3A_81 : memref<24x2048xf32, #tpu.memory_space<hbm>>) target_semaphore(%run_scoped3A_75 : memref<!tpu.dma_semaphore, #tpu.memory_space<semaphore_mem>>)
          %dma_wait3A = arith.constant 0 : i32
          %dma_wait3A_85 = arith.constant 0 : i32
          %dma_wait3A_86 = tpu.memref_slice %arg5[%dma_wait3A, %dma_wait3A_85] : memref<32x2048xf32, #tpu.memory_space<vmem>> -> memref<24x2048xf32, #tpu.memory_space<vmem>>
          %dma_wait3A_87 = tpu.memref_slice %arg3[%select_n3A_39, %mul3A_12, %mul3A_74] : memref<20x1000x4096xf32, #tpu.memory_space<hbm>> -> memref<1x24x2048xf32, #tpu.memory_space<hbm>>
          %dma_wait3A_88 = tpu.memref_squeeze %dma_wait3A_87 : memref<1x24x2048xf32, #tpu.memory_space<hbm>> -> memref<24x2048xf32, #tpu.memory_space<hbm>>
          %dma_wait3A_89 = tpu.memref_slice %arg3[%select_n3A_39, %mul3A_12, %mul3A_74] : memref<20x1000x4096xf32, #tpu.memory_space<hbm>> -> memref<1x24x2048xf32, #tpu.memory_space<hbm>>
          %dma_wait3A_90 = tpu.memref_squeeze %dma_wait3A_89 : memref<1x24x2048xf32, #tpu.memory_space<hbm>> -> memref<24x2048xf32, #tpu.memory_space<hbm>>
          %dma_wait3A_91 = arith.constant 0 : i32
          %dma_wait3A_92 = arith.constant 0 : i32
          %dma_wait3A_93 = tpu.memref_slice %arg5[%dma_wait3A_91, %dma_wait3A_92] : memref<32x2048xf32, #tpu.memory_space<vmem>> -> memref<24x2048xf32, #tpu.memory_space<vmem>>
          tpu.wait_dma2 semaphore(%run_scoped3A_75 : memref<!tpu.dma_semaphore, #tpu.memory_space<semaphore_mem>>) src(%dma_wait3A_93 : memref<24x2048xf32, #tpu.memory_space<vmem>>) dst(%dma_wait3A_90 : memref<24x2048xf32, #tpu.memory_space<hbm>>)
          tpu.yield
        }) : () -> ()
      } else {
      }
      %scan3A_72 = arith.constant 0 : i32
      scf.yield %scan3A_72 : i32
    }
    %scan3A_18 = arith.constant 40 : i32
    return
  }
}

</mosaic_0001>

<sc_bundles>
// kernel: kernel.3.cloned.1.call-start
scs
__scs_entry_jumppad:
0x0: {  	(pc) =	sbr.rel $0x88, $3  }
0x1: {  	(tag) =	ssettag $0x0;
	lr =	simm.s32 $0x1  }
0x2: {  	[smem:$0x3FA0] =	sst lr;
	_ =	strace $0xD0000000  }
0x3: {  	_ = 	snop  }
0x4: {  	_ = 	snop  }
0x5: {  	_ = 	snop  }
0x6: {  	_ = 	snop  }
0x7: {  	_ = 	snop  }
__scs_overlays_trampoline_lowered:
0x8: {  	[smem:$0x3FAF] =	sst s0  }
0x9: {  	[smem:$0x3FB0] =	sst s1  }
0xa: {  	[smem:$0x3FB1] =	sst s2  }
0xb: {  	[smem:$0x3FB2] =	sst s3  }
0xc: {  	[smem:$0x3FB3] =	sst s4  }
0xd: {  	[smem:$0x3FB4] =	sst s5  }
0xe: {  	[smem:$0x3FB5] =	sst s6  }
0xf: {  	[smem:$0x3FB6] =	sst s7  }
0x10: {  	[smem:$0x3FB7] =	sst s8  }
0x11: {  	[smem:$0x3FB8] =	sst s9;
	s0 =	simm.s32 @!p0 $0x0  }
0x12: {  	s1 =	sld [smem:$0x3F9E];
	s0 =	simm.s32 @p0 $0x1  }
0x13: {  	[smem:$0x3FB9] =	sst s0;
	s0 =	simm.s32 @!p1 $0x0  }
0x14: {  	s2 =	sld [smem:$0x3F9D];
	s0 =	simm.s32 @p1 $0x1  }
0x15: {  	[smem:$0x3FBA] =	sst s0;
	s0 =	simm.s32 @!p2 $0x0  }
0x16: {  	s3 =	sld [smem:$0x3FDB];
	s0 =	simm.s32 @p2 $0x1  }
0x17: {  	s4 =	simm.s32 $0x1BF5;
	[smem:$0x3FBC] =	sst s0  }
0x18: {  	s0 =	sld [smem:$0x3F9F];
	_ =	swait.ge [sflag:s4], $0x0  }
0x19: {  	s7 =	sld [smem:$0x3FA0]  }
0x1a: {  	s8 =	sadd.s32 $0xFFFFE003, lr  }
0x1b: {  	s9 =	sadd.s32 $0xFFFFFEF7, lr;
	s5 =	simm.s32 $0xFFFFFFFF;
	p2 =	slt.u32 s8, $0xFFFFF086  }
0x1c: {  	p1 =	slt.u32 s9, $0xF7A;
	s5 =	simm.s32 @!p2 $0x0  }
0x1d: {  	s5 =	simm.s32 @p1 $0x1;
	p0 =	seq.s32 s7, s2  }
0x1e: {  	s7 =	smul.u32 @!p0 $0xF7A, s2;
	p2 =	seq.s32 @!p0 s5, $0x0  }
0x1f: {  	s9 =	smul.u32 $0xF7A, s1;
	s8 =	simm.s32 @!p0 $0x1BF5;
	p2 =	por !p2, p0  }
0x20: {  	[sflag:s8] =	ssyncset.s32 @!p0 $0xFFFFF086;
	s6 =	sadd.s32 @!p0 s3, s7;
	s7 =	simm.s32 @!p0 $0x108  }
0x21: {  	s3 =	sadd.s32 s3, s9;
	s6 =	sadd.s32 @!p0 $0x88, s6;
	s7 =	simm.s32 @p2 $0x1082  }
0x22: {  	[simem:s7], [sflag:s8] =	dma.local @!p0 [hbm:s6], $0xF7A  }
0x23: {  	s9 =	sor.u32 $0xD0000000, s2;
	s6 =	simm.s32 $0x108;
	_ =	swait.ge @!p0 [sflag:s8], $0x0  }
0x24: {  	s3 =	sadd.s32 $0x88, s3;
	s6 =	simm.s32 @!p1 $0x1082;
	[sflag:s4] =	ssyncset.s32 $0xFFFFF086  }
0x25: {  	[simem:s6], [sflag:s4] =	dma.local [hbm:s3], $0xF7A  }
0x26: {  	[smem:$0x3FA0] =	sst s1;
	(tag) =	ssettag s2;
	_ =	strace s9  }
0x27: {  	s1 =	sld [smem:$0x3FB0]  }
0x28: {  	s2 =	sld [smem:$0x3FB1]  }
0x29: {  	s4 =	sld [smem:$0x3FB3]  }
0x2a: {  	p0 =	seq.s32 s5, $0x0;
	s5 =	sld [smem:$0x3FB4]  }
0x2b: {  	s6 =	sld [smem:$0x3FB5]  }
0x2c: {  	s7 =	sld [smem:$0x3FB6]  }
0x2d: {  	s3 =	simm.s32 $0x108;
	s8 =	sld [smem:$0x3FB7]  }
0x2e: {  	s3 =	simm.s32 @!p0 $0x1082;
	s9 =	sld [smem:$0x3FB8]  }
0x2f: {  	lr =	sadd.s32 s0, s3;
	s0 =	sld [smem:$0x3FAF]  }
0x30: {  	s3 =	sld [smem:$0x3FB2]  }
0x31: {  	[smem:$0x3FBB] =	sst s10  }
0x32: {  	s10 =	sld [smem:$0x3FB9];
	_ =	sdelay $0x3  }
0x33: {  	p0 =	seq.s32 s10, $0x1;
	s10 =	sld [smem:$0x3FBB];
	_ =	sdelay $0x3  }
0x34: {  	[smem:$0x3FBB] =	sst s10  }
0x35: {  	s10 =	sld [smem:$0x3FBA];
	_ =	sdelay $0x3  }
0x36: {  	p1 =	seq.s32 s10, $0x1;
	s10 =	sld [smem:$0x3FBB];
	_ =	sdelay $0x3  }
0x37: {  	[smem:$0x3FBB] =	sst s10  }
0x38: {  	s10 =	sld [smem:$0x3FBC]  }
0x39: {  	_ = 	snop;
	(pc) =	sbr.ind lr, $3  }
0x3a: {  	_ = 	snop  }
0x3b: {  	_ = 	snop  }
0x3c: {  	p2 =	seq.s32 s10, $0x1;
	s10 =	sld [smem:$0x3FBB]  }
0x3d: {  	_ =	shalt  }
0x3e: {  	_ =	shalt  }
0x3f: {  	_ =	shalt  }
0x40: {  	_ =	shalt  }
0x41: {  	_ =	shalt  }
0x42: {  	_ =	shalt  }
0x43: {  	_ =	shalt  }
0x44: {  	_ =	shalt  }
0x45: {  	_ =	shalt  }
0x46: {  	_ =	shalt  }
0x47: {  	_ =	shalt  }
0x48: {  	_ =	shalt  }
0x49: {  	_ =	shalt  }
0x4a: {  	_ =	shalt  }
0x4b: {  	_ =	shalt  }
0x4c: {  	_ =	shalt  }
0x4d: {  	_ =	shalt  }
0x4e: {  	_ =	shalt  }
0x4f: {  	_ =	shalt  }
0x50: {  	_ =	shalt  }
0x51: {  	_ =	shalt  }
0x52: {  	_ =	shalt  }
0x53: {  	_ =	shalt  }
0x54: {  	_ =	shalt  }
0x55: {  	_ =	shalt  }
0x56: {  	_ =	shalt  }
0x57: {  	_ =	shalt  }
0x58: {  	_ =	shalt  }
0x59: {  	_ =	shalt  }
0x5a: {  	_ =	shalt  }
0x5b: {  	_ =	shalt  }
0x5c: {  	_ =	shalt  }
0x5d: {  	_ =	shalt  }
0x5e: {  	_ =	shalt  }
0x5f: {  	_ =	shalt  }
0x60: {  	_ =	shalt  }
0x61: {  	_ =	shalt  }
0x62: {  	_ =	shalt  }
0x63: {  	_ =	shalt  }
0x64: {  	_ =	shalt  }
0x65: {  	_ =	shalt  }
0x66: {  	_ =	shalt  }
0x67: {  	_ =	shalt  }
0x68: {  	_ =	shalt  }
0x69: {  	_ =	shalt  }
0x6a: {  	_ =	shalt  }
0x6b: {  	_ =	shalt  }
0x6c: {  	_ =	shalt  }
0x6d: {  	_ =	shalt  }
0x6e: {  	_ =	shalt  }
0x6f: {  	_ =	shalt  }
0x70: {  	_ =	shalt  }
0x71: {  	_ =	shalt  }
0x72: {  	_ =	shalt  }
0x73: {  	_ =	shalt  }
0x74: {  	_ =	shalt  }
0x75: {  	_ =	shalt  }
0x76: {  	_ =	shalt  }
0x77: {  	_ =	shalt  }
0x78: {  	_ =	shalt  }
0x79: {  	_ =	shalt  }
0x7a: {  	_ =	shalt  }
0x7b: {  	_ =	shalt  }
0x7c: {  	_ =	shalt  }
0x7d: {  	_ =	shalt  }
0x7e: {  	_ =	shalt  }
0x7f: {  	_ =	shalt  }
0x80: {  	_ =	shalt  }
0x81: {  	_ =	shalt  }
0x82: {  	_ =	shalt  }
0x83: {  	_ =	shalt  }
0x84: {  	_ =	shalt  }
0x85: {  	_ =	shalt  }
0x86: {  	_ =	shalt  }
0x87: {  	_ =	shalt  }
.Lfunc_end0:
.L_simem_size_0:
called_computation_lowered:
.L_overlay_start_0:
0x88: {  	s2 =	sld [smem:$0x3FD9]  }
0x89: {  	s3 =	sld [smem:$0x3FFE];
	_ =	sdelay $0x1  }
0x8a: {  	s1 =	srdreg.scid  }
0x8b: {  	s0 =	sand.u32 $0x1, s1  }
0x8c: {  	s17 =	sshll.u32 s0, $0xA;
	s2 =	sadd.s32 s3, s2  }
0x8d: {  	s2 =	sadd.s32 s2, s17  }
0x8e: {  	[smem:$0x3FC7] =	sst s2  }
0x8f: {  	_ = 	snop  }
0x90: {  	s2 =	sld [smem:$0x3FD0];
	(tm) =	ssettm $0x1  }
0x91: {  	s18 =	sld [smem:$0x3FFB];
	_ =	sdelay $0x3  }
0x92: {  	_ =	strace s18  }
0x93: {  	s3 =	sld [smem:$0x3FFC];
	_ =	sdelay $0x3  }
0x94: {  	_ =	strace s3  }
0x95: {  	s3 =	sld [smem:$0x3FFD];
	_ =	sdelay $0x3  }
0x96: {  	_ =	strace s3  }
0x97: {  	_ =	strace $0x8FFFFFFF  }
0x98: {  	s19 =	sld [smem:$0x3FDB];
	_ =	sdelay $0x1  }
0x99: {  	s4 =	simm.s32 $_scs_section_size  }
0x9a: {  	s5 =	simm.s32 $_size__tile_overlayer_lowered;
	s6 =	simm.s32 $_tile_overlayer_lowered  }
0x9b: {  	s22 =	simm.s32 $0x1BFF;
	s21 =	sshll.u32 s6, $0x1;
	s3 =	sadd.s32 s4, s19  }
0x9c: {  	s7 =	simm.s32 $0x0;
	s20 =	sshll.u32 s5, $0x1;
	s5 =	sadd.s32 s21, s3  }
0x9d: {  	[timem:s7], [sflag:s22] =	dma.local [hbm:s5], s20  }
0x9e: {  	_ =	swait.ge [sflag:s22], s20  }
0x9f: {  	s4 =	ssub.s32 $0x0, s20;
	[sflag:s22] =	ssyncset.done $0x0  }
0xa0: {  	[sflag:s22] =	ssyncadd.s32 s4;
	_ =	sdelay $0x1  }
0xa1: {  	s23 =	simm.s32 $0x1B8B  }
0xa2: {  	_ =	swait.ge [sflag:s23], $0x1  }
0xa3: {  	[sflag:s23] =	ssyncset.done $0x0  }
0xa4: {  	s25 =	simm.s32 $0x1B8E;
	s24 =	sld [smem:$0x3FFE];
	[sflag:s23] =	ssyncadd.s32 $0xFFFFFFFF  }
0xa5: {  	s26 =	simm.s32 $execute0_lowered;
	[smem:$0x3FD2] =	sst s25  }
0xa6: {  	s5 =	sshll.u32 s26, $0x1;
	_ =	strace $0x80000046;
	[dreg:$0x1] =	wrdreg $0xFFFFFFFF  }
0xa7: {  	s28 =	simm.s32 $_size_execute0_lowered;
	s3 =	sadd.s32 s3, s5;
	[dreg:$0x0] =	wrdreg $0x0  }
0xa8: {  	s5 =	sshll.u32 s28, $0x1;
	[dreg:$0x2] =	wrdreg s3  }
0xa9: {  	[dreg:$0x3] =	wrdreg s5  }
0xaa: {  	[dreg:$0x4] =	wrdreg $0xC0  }
0xab: {  	_ =	task [dreg:s7], $0x5FFFF  }
0xac: {  	[dreg:$0x1] =	wrdreg $0xFFFFFFFF  }
0xad: {  	[dreg:$0x0] =	wrdreg $0x60  }
0xae: {  	[dreg:$0x2] =	wrdreg s24  }
0xaf: {  	[dreg:$0x3] =	wrdreg s2  }
0xb0: {  	[dreg:$0x4] =	wrdreg $0x9  }
0xb1: {  	_ =	task.clear_ibuf [dreg:s7], $0x5FFFF;
	_ =	strace $0x90000046  }
0xb2: {  	s29 =	simm.s32 $0x9;
	_ =	strace $0x80000048  }
0xb3: {  	_ =	swait.ge [sflag:s29], $0x1  }
0xb4: {  	[sflag:s29] =	ssyncadd.s32 $0xFFFFFFFF  }
0xb5: {  	_ =	strace $0x90000048  }
0xb6: {  	_ =	sfence  }
0xb7: {  	s30 =	sld [smem:$0x0];
	_ =	sdelay $0x2  }
0xb8: {  	s31 =	sshll.u32 s1, $0xD;
	s1 =	sshrl.u32 s1, $0x2  }
0xb9: {  	s3 =	sand.u32 $0x4000, s31;
	s1 =	sadd.s32 s1, s30  }
0xba: {  	s0 =	sor.u32 s3, s0;
	s1 =	sshll.u32 s1, $0x11  }
0xbb: {  	s0 =	sor.u32 s1, s0  }
0xbc: {  	s0 =	sadd.s32 $0x8F2B, s0  }
0xbd: {  	[sflag:s0] =	ssyncadd.remote.s32 $0x1  }
0xbe: {  	_ =	sfence.sel $0xFFFF  }
0xbf: {  	[dreg:$0x0] =	wrdreg $0xFFFFFFFF;
	(pc) =	sbr.abs _section_cstart, $3  }
0xc0: {  	[dreg:$0x1] =	wrdreg $0xFFFFFFFF  }
0xc1: {  	_ =	task.clear_ibuf [dreg:s7], $0x2FFFF;
	_ =	strace $0x9FFFFFFF  }
0xc2: {  	(tm) =	ssettm $0x7FFFFFFF  }
0xc3: {  	_ =	shalt  }
tec
execute0_lowered:
.L_overlay_start_1:
0x0: {  	(tag) =	ssettag $0x1  }
0x1: {  	s1 =	srdreg.scid;
	s5 =	rddreg [dreg:$0x0]  }
0x2: {  	s0 =	stileid.u32;
	s2 =	rddreg [dreg:$0x1];
	s3 =	simm.s32 $0x0  }
0x3: {  	s4 =	sand.u32 $0x1, s1;
	s22 =	sshll.u32 s0, $0x1;
	s1 =	rddreg [dreg:$0x2]  }
0x4: {  	[smem:$0x7FF] =	sst s3;
	s9 =	sor.u32 s4, s22;
	s8 =	ssub.s32 $0x2, s4  }
0x5: {  	_ =	strace $0x80000047;
	s4 =	sadd.s32 $0x400, s5;
	s6 =	smul.u32 $0x3, s9  }
0x6: {  	p0 =	sgt.u32 s9, $0x1C;
	s7 =	sshll.u32 s9, $0x2;
	s10 =	sshrl.u32 s8, $0x1  }
0x7: {  	s5 =	sshll.u32 s9, $0x11;
	s8 =	ssub.s32 s8, s10;
	s6 =	sadd.s32 $0x1D, s6  }
0x8: {  	s7 =	smov.u32 @p0 s6;
	s6 =	sshll.u32 s6, $0xF;
	p0 =	slt.u32 s9, $0x1D  }
0x9: {  	s9 =	simm.s32 $0x4000;
	s11 =	sshll.u32 s7, $0x3;
	s7 =	sshllo.u32 s7, $0x3  }
0xa: {  	s23 =	sor.u32 $0x1, s11;
	s24 =	sor.u32 $0x2, s11;
	s12 =	sor.u32 $0x3, s11  }
0xb: {  	v32 =	vimm.f32 $0.0e+00;
	s13 =	sor.u32 $0x4, s11;
	s14 =	sor.u32 $0x5, s11;
	s15 =	sor.u32 $0x6, s11;
	v6 =	vmov s7;
	v21 =	vmov s11  }
0xc: {  	s25 =	sadd.s32 $0x8, s11;
	s26 =	sadd.s32 $0x9, s11;
	s28 =	sadd.s32 $0xA, s11;
	v0 =	vmov s23;
	v1 =	vmov s24;
	v2 =	vmov s12  }
0xd: {  	s29 =	sadd.s32 $0xB, s11;
	s30 =	sadd.s32 $0xC, s11;
	s31 =	sadd.s32 $0xD, s11;
	v3 =	vmov s13;
	v4 =	vmov s14;
	v5 =	vmov s15  }
0xe: {  	s10 =	sadd.s32 $0xE, s11;
	s16 =	sadd.s32 $0xF, s11;
	s17 =	sadd.s32 $0x10, s11;
	v7 =	vmov s25;
	v8 =	vmov s26;
	v9 =	vmov s28  }
0xf: {  	s18 =	sadd.s32 $0x11, s11;
	s19 =	sadd.s32 $0x12, s11;
	s20 =	sadd.s32 $0x13, s11;
	v10 =	vmov s29;
	v11 =	vmov s30;
	v12 =	vmov s31  }
0x10: {  	s21 =	sadd.s32 $0x14, s11;
	s22 =	sadd.s32 $0x15, s11;
	s7 =	smax.u32 s8, $0x1;
	v13 =	vmov s10;
	v14 =	vmov s16;
	v15 =	vmov s17  }
.Ltmp0:
0x11: {  	s8 =	simm.s32 $0x2;
	s23 =	sadd.s32 $0x16, s11;
	v16 =	vmov s18;
	v17 =	vmov s19;
	v18 =	vmov s20;
	(pc) =	sbr.rel .LBB2_1-.Ltmp0, $4  }
0x12: {  	s24 =	sadd.s32 $0x17, s11;
	s25 =	sadd.s32 $0x18, s11;
	s26 =	sadd.s32 $0x19, s11;
	v19 =	vmov s21;
	v20 =	vmov s22;
	v22 =	vmov s23  }
0x13: {  	s28 =	sadd.s32 $0x1A, s11;
	s29 =	sadd.s32 $0x1B, s11;
	s16 =	sadd.s32 $0x1C, s11;
	v23 =	vmov s24;
	v24 =	vmov s25;
	v25 =	vmov s26  }
0x14: {  	s30 =	sadd.s32 $0x1D, s11;
	s31 =	sadd.s32 $0x1E, s11;
	s11 =	sadd.s32 $0x1F, s11;
	v26 =	vmov s28;
	v27 =	vmov s29;
	v28 =	vmov s16  }
0x15: {  	s10 =	simm.s32 $0x8000;
	s12 =	simm.s32 $0x1;
	v29 =	vmov s30;
	v30 =	vmov s31;
	v31 =	vmov s11;
	s11 =	simm.s32 $0x800  }
.LBB2_10:
0x16: {  	s3 =	sadd.s32 $0x1, s3  }
0x17: {  	p1 =	sne.s32 s3, s7  }
.Ltmp1:
0x18: {  	_ = 	snop;
	(pc) =	sbr.rel @!p1 .LBB2_11-.Ltmp1, $1  }
0x19: {  	_ =	sdelay $0x3  }
.LBB2_1:
.Ltmp2:
0x1a: {  	(pc) =	sbr.rel .LBB2_2-.Ltmp2, $2  }
0x1b: {  	_ =	sdelay $0x2  }
0x1c: {  	s13 =	simm.s32 $0x0  }
.LBB2_8:
0x1d: {  	s15 =	smul.u32 $0x3E8000, s15;
	_ =	sdelay $0x1  }
0x1e: {  	s14 =	sshll.u32 s14, $0xA;
	s15 =	sadd.s32 s6, s15  }
0x1f: {  	s14 =	sor.u32 s14, s15  }
0x20: {  	s14 =	sshrl.u32 s14, $0x3  }
0x21: {  	s14 =	sadd.s32 s2, s14  }
0x22: {  	[hbm4b:s14+s9] =	stream.strided.scatter [tilespmem:s11], [sflag:$0x1], $0xC000, s10, s9, $0x38;
	[tilespmem:$0x10800] =	vst v63  }
0x23: {  	_ =	swait.ge [sflag:s12], $0xC000  }
0x24: {  	[sflag:s12] =	ssyncset.done $0x0  }
0x25: {  	[sflag:s12] =	ssyncadd.s32 $0xFFFF4000  }
.LBB2_9:
0x26: {  	s13 =	sadd.s32 $0x1, s13  }
0x27: {  	p1 =	sne.s32 s13, $0x28  }
.Ltmp3:
0x28: {  	_ = 	snop;
	(pc) =	sbr.rel @!p1 .LBB2_10-.Ltmp3, $1  }
0x29: {  	_ =	sdelay $0x3  }
.LBB2_2:
0x2a: {  	s15 =	sshrl.u32 s13, $0x1;
	s14 =	sshll.u32 s13, $0x4  }
0x2b: {  	s14 =	sand.u32 $0x10, s14;
	s16 =	sshll.u32 s15, $0x9  }
0x2c: {  	s17 =	sshll.u32 s14, $0x4;
	s16 =	sadd.s32 s4, s16  }
.Ltmp4:
0x2d: {  	s17 =	sadd.s32 s17, s16;
	s16 =	simm.s32 $0x0;
	(pc) =	sbr.rel .LBB2_3-.Ltmp4, $4  }
0x2e: {  	[tilespmem:s16], [sflag:$0x2] =	stream.linear.gather [hbm4b:s17+s16], $0x800, $0x38;
	[tilespmem:$0x10800] =	vst v63  }
0x2f: {  	_ =	swait.ge [sflag:s8], $0x800  }
0x30: {  	s18 =	simm.s32 $0x0;
	s19 =	simm.s32 $0x0;
	[sflag:s8] =	ssyncset.done $0x0  }
0x31: {  	s20 =	simm.s32 $0x0;
	s17 =	simm.s32 $0x7F;
	[sflag:s8] =	ssyncadd.s32 $0xFFFFF800  }
.LBB2_4:
0x32: {  	p1 =	seq.s32 s17, $0x0  }
.Ltmp5:
0x33: {  	_ = 	snop;
	(pc) =	sbr.rel @p1 .LBB2_8-.Ltmp5, $1  }
0x34: {  	_ =	sdelay $0x3  }
.LBB2_5:
0x35: {  	s17 =	sadd.s32 $0xFFFFFFFF, s17  }
0x36: {  	s19 =	sadd.s32 $0x80, s19;
	s18 =	sadd.s32 $0x10, s18;
	s16 =	sadd.s32 $0x10, s16  }
.LBB2_3:
0x37: {  	v33 =	vld [tilespmem:s16+$0x0];
	_ =	sdelay $0x4  }
0x38: {  	s21 =	sand.u32 $0x70, s18;
	s22 =	sand.u32 $0x3C00, s19;
	vm0 =	veq.s32 v33, v21  }
0x39: {  	s23 =	sor.u32 s21, s22;
	vm5 =	veq.s32 v33, v0;
	v34 =	vsel vm0, $0x3F800000, v32  }
0x3a: {  	vm6 =	veq.s32 v33, v1;
	v41 =	vsel vm5, $0x3F800000, v32;
	[tilespmem:s23+$0x800] =	vst v34  }
0x3b: {  	vm7 =	veq.s32 v33, v2;
	v42 =	vsel vm6, $0x3F800000, v32;
	[tilespmem:s23+$0x880] =	vst v41  }
0x3c: {  	vm8 =	veq.s32 v33, v3;
	v43 =	vsel vm7, $0x3F800000, v32;
	[tilespmem:s23+$0x900] =	vst v42  }
0x3d: {  	vm9 =	veq.s32 v33, v4;
	v44 =	vsel vm8, $0x3F800000, v32;
	[tilespmem:s23+$0x980] =	vst v43  }
0x3e: {  	vm10 =	veq.s32 v33, v5;
	v45 =	vsel vm9, $0x3F800000, v32;
	[tilespmem:s23+$0xA00] =	vst v44  }
0x3f: {  	s24 =	sadd.s32 s21, s19;
	vm11 =	veq.s32 v33, v6;
	v46 =	vsel vm10, $0x3F800000, v32;
	[tilespmem:s23+$0xA80] =	vst v45  }
0x40: {  	s24 =	sor.u32 $0x380, s24;
	vm12 =	veq.s32 v33, v7;
	v47 =	vsel vm11, $0x3F800000, v32;
	[tilespmem:s23+$0xB00] =	vst v46  }
0x41: {  	vm13 =	veq.s32 v33, v8;
	v48 =	vsel vm12, $0x3F800000, v32;
	[tilespmem:s24+$0x800] =	vst v47  }
0x42: {  	vm14 =	veq.s32 v33, v9;
	v49 =	vsel vm13, $0x3F800000, v32;
	[tilespmem:s23+$0x4800] =	vst v48  }
0x43: {  	vm15 =	veq.s32 v33, v10;
	v50 =	vsel vm14, $0x3F800000, v32;
	[tilespmem:s23+$0x4880] =	vst v49  }
0x44: {  	vm4 =	veq.s32 v33, v11;
	v51 =	vsel vm15, $0x3F800000, v32;
	[tilespmem:s23+$0x4900] =	vst v50  }
0x45: {  	v52 =	vsel vm4, $0x3F800000, v32;
	vm5 =	veq.s32 v33, v12;
	[tilespmem:s23+$0x4980] =	vst v51  }
0x46: {  	vm6 =	veq.s32 v33, v13;
	v53 =	vsel vm5, $0x3F800000, v32;
	[tilespmem:s23+$0x4A00] =	vst v52  }
0x47: {  	vm7 =	veq.s32 v33, v14;
	v54 =	vsel vm6, $0x3F800000, v32;
	[tilespmem:s23+$0x4A80] =	vst v53  }
0x48: {  	vm8 =	veq.s32 v33, v15;
	v55 =	vsel vm7, $0x3F800000, v32;
	[tilespmem:s23+$0x4B00] =	vst v54  }
0x49: {  	vm9 =	veq.s32 v33, v16;
	v56 =	vsel vm8, $0x3F800000, v32;
	[tilespmem:s23+$0x4B80] =	vst v55  }
0x4a: {  	vm10 =	veq.s32 v33, v17;
	v57 =	vsel vm9, $0x3F800000, v32;
	[tilespmem:s23+$0x8800] =	vst v56  }
0x4b: {  	vm11 =	veq.s32 v33, v18;
	v58 =	vsel vm10, $0x3F800000, v32;
	[tilespmem:s23+$0x8880] =	vst v57  }
0x4c: {  	vm12 =	veq.s32 v33, v19;
	v59 =	vsel vm11, $0x3F800000, v32;
	[tilespmem:s23+$0x8900] =	vst v58  }
.Ltmp6:
0x4d: {  	vm13 =	veq.s32 v33, v20;
	v60 =	vsel vm12, $0x3F800000, v32;
	[tilespmem:s23+$0x8980] =	vst v59;
	(pc) =	sbr.rel @!p0 .LBB2_4-.Ltmp6, $4  }
0x4e: {  	vm14 =	veq.s32 v33, v22;
	v61 =	vsel vm13, $0x3F800000, v32;
	[tilespmem:s23+$0x8A00] =	vst v60  }
0x4f: {  	vm15 =	veq.s32 v33, v23;
	v62 =	vsel vm14, $0x3F800000, v32;
	[tilespmem:s23+$0x8A80] =	vst v61  }
0x50: {  	v63 =	vsel vm15, $0x3F800000, v32;
	[tilespmem:s23+$0x8B00] =	vst v62  }
0x51: {  	s20 =	sadd.s32 $0x1, s20;
	[tilespmem:s23+$0x8B80] =	vst v63  }
0x52: {  	vm0 =	veq.s32 v33, v24  }
0x53: {  	s21 =	sadd.s32 s21, s22;
	vm9 =	veq.s32 v33, v25;
	v34 =	vsel vm0, $0x3F800000, v32  }
0x54: {  	vm10 =	veq.s32 v33, v26;
	v58 =	vsel vm9, $0x3F800000, v32;
	[tilespmem:s21+$0xC800] =	vst v34  }
0x55: {  	vm11 =	veq.s32 v33, v27;
	v59 =	vsel vm10, $0x3F800000, v32;
	[tilespmem:s21+$0xC880] =	vst v58  }
0x56: {  	vm12 =	veq.s32 v33, v28;
	p1 =	sne.s32 s17, $0x0;
	v60 =	vsel vm11, $0x3F800000, v32;
	[tilespmem:s21+$0xC900] =	vst v59  }
.Ltmp7:
0x57: {  	vm13 =	veq.s32 v33, v29;
	v61 =	vsel vm12, $0x3F800000, v32;
	[tilespmem:s21+$0xC980] =	vst v60;
	(pc) =	sbr.rel @p1 .LBB2_5-.Ltmp7, $4  }
0x58: {  	vm14 =	veq.s32 v33, v30;
	v62 =	vsel vm13, $0x3F800000, v32;
	[tilespmem:s21+$0xCA00] =	vst v61  }
0x59: {  	vm15 =	veq.s32 v33, v31;
	v63 =	vsel vm14, $0x3F800000, v32;
	[tilespmem:s21+$0xCA80] =	vst v62  }
0x5a: {  	v33 =	vsel vm15, $0x3F800000, v32;
	[tilespmem:s21+$0xCB00] =	vst v63  }
0x5b: {  	[tilespmem:s21+$0xCB80] =	vst v33  }
0x5c: {  	s15 =	smul.u32 $0x3E8000, s15;
	_ =	sdelay $0x1  }
0x5d: {  	s14 =	sshll.u32 s14, $0xA;
	s15 =	sadd.s32 s5, s15  }
0x5e: {  	s14 =	sor.u32 s14, s15  }
0x5f: {  	s14 =	sshrl.u32 s14, $0x3  }
.Ltmp8:
0x60: {  	s14 =	sadd.s32 s2, s14;
	(pc) =	sbr.rel .LBB2_9-.Ltmp8, $4  }
0x61: {  	[hbm4b:s14+s9] =	stream.strided.scatter [tilespmem:s11], [sflag:$0x2], $0x10000, s10, s9, $0x38;
	[tilespmem:$0x10800] =	vst v63  }
0x62: {  	_ =	swait.ge [sflag:s8], $0x10000  }
0x63: {  	[sflag:s8] =	ssyncset.done $0x0  }
0x64: {  	[sflag:s8] =	ssyncadd.s32 $0xFFFF0000  }
.LBB2_11:
0x65: {  	_ =	sfence.sel $0x180000  }
0x66: {  	[bflag:$0x0] =	sbarrier.arrive $0xFFFF  }
0x67: {  	p0 =	sne.s32 s0, $0x0;
	_ =	strace $0x90000047  }
0x68: {  	s0 =	sadd.s32 @!p0 $0x100000, s1;
	[bflag:$0x2] =	sbarrier.arrive $0xFFFF  }
0x69: {  	[sflag:s0] =	ssyncadd.tile.s32 @!p0 $0x1;
	_ =	shalt  }
.Lfunc_end2:
_tile_overlayer_lowered:
.L_overlay_start_2:
0x6a: {  	(tag) =	ssettag $0x2  }
0x6b: {  	s0 =	rddreg [dreg:$0x0];
	s2 =	stileid.u32  }
0x6c: {  	s1 =	rddreg [dreg:$0x1];
	p0 =	sne.s32 s2, $0x0  }
0x6d: {  	s3 =	rddreg [dreg:$0x2];
	[bflag:$0x3] =	sbarrier.arrive $0xFFFF;
	s2 =	simm.s32 @!p0 $0x1C01  }
0x6e: {  	[timem:s3], [sflag:s2] =	dma.local @!p0 [hbm:s0], s1  }
0x6f: {  	s0 =	simm.s32 @!p0 $0x1  }
0x70: {  	_ =	swait.ge @!p0 [sflag:s0], s1  }
0x71: {  	s1 =	ssub.s32 @!p0 $0x0, s1;
	[sflag:s0] =	ssyncset.done @!p0 $0x0  }
0x72: {  	[sflag:s0] =	ssyncadd.s32 @!p0 s1  }
0x73: {  	[bflag:$0x3] =	sbarrier.arrive $0xFFFF  }
0x74: {  	_ =	shalt  }

</sc_bundles>
